<compile_context>
chip_gen: v7x
topology: tpu7x:2x2x1
jax: 0.10.2.dev20260603
libtpu: 0.0.44.dev20260713+nightly
codegen_flags: <defaults>
</compile_context>

<pallas_src>
import functools

import jax
import jax.numpy as jnp
from jax import lax
from jax.experimental import pallas as pl
from jax.experimental.pallas import tpu as pltpu
from jax.experimental.pallas import tpu_sc as plsc

NC = 2
NS = 16
NW = NC * NS
LANES = 16
SCHUNK = 8
HCHUNK = 1024
NSLOT = 3


def _make_sc_add(B, S, H):
    pos_per_w = S // NW
    n_sc = pos_per_w // SCHUNK
    n_hc = H // HCHUNK
    n_tiles = n_sc * n_hc
    n_vec = HCHUNK // LANES

    mesh = plsc.VectorSubcoreMesh(core_axis_name="c", subcore_axis_name="s")

    @functools.partial(
        pl.kernel,
        mesh=mesh,
        out_type=jax.ShapeDtypeStruct((B, S, H), jnp.float32),
        scratch_types=(
            [pltpu.VMEM((SCHUNK, HCHUNK), jnp.float32)] * NSLOT
            + [pltpu.VMEM((B, SCHUNK, HCHUNK), jnp.float32)] * NSLOT
            + [pltpu.SemaphoreType.DMA] * (3 * NSLOT)
        ),
        compiler_params=pltpu.CompilerParams(use_tc_tiling_on_sc=True),
    )
    def sc_add(x_hbm, p_hbm, o_hbm, *bufs):
        pos_v = bufs[0:NSLOT]
        buf_v = bufs[NSLOT:2 * NSLOT]
        psem = bufs[2 * NSLOT:3 * NSLOT]
        isem = bufs[3 * NSLOT:4 * NSLOT]
        osem = bufs[4 * NSLOT:5 * NSLOT]
        wid = lax.axis_index("s") * NC + lax.axis_index("c")
        s_base = wid * pos_per_w

        def tile_slices(t):
            c, hi = divmod(t, n_hc)
            s0 = s_base + c * SCHUNK
            return pl.ds(s0, SCHUNK), pl.ds(hi * HCHUNK, HCHUNK)

        def start_in(t, sl):
            ssl, hsl = tile_slices(t)
            pltpu.async_copy(p_hbm.at[ssl, hsl], pos_v[sl], psem[sl])
            pltpu.async_copy(x_hbm.at[:, ssl, hsl], buf_v[sl], isem[sl])

        def start_out(t, sl):
            ssl, hsl = tile_slices(t)
            pltpu.async_copy(buf_v[sl], o_hbm.at[:, ssl, hsl], osem[sl])

        def compute(sl):
            @plsc.parallel_loop(0, n_vec * SCHUNK)
            def body(i):
                s = i & (SCHUNK - 1)
                j = i >> 3
                sli = pl.ds(j * LANES, LANES)
                pv = pos_v[sl][s, sli]
                for b in range(B):
                    buf_v[sl][b, s, sli] = buf_v[sl][b, s, sli] + pv

        def wait_in(t, sl):
            ssl, hsl = tile_slices(t)
            pltpu.make_async_copy(p_hbm.at[ssl, hsl], pos_v[sl], psem[sl]).wait()
            pltpu.make_async_copy(
                x_hbm.at[:, ssl, hsl], buf_v[sl], isem[sl]).wait()

        def wait_out(t, sl):
            ssl, hsl = tile_slices(t)
            pltpu.make_async_copy(
                buf_v[sl], o_hbm.at[:, ssl, hsl], osem[sl]).wait()

        start_in(0, 0)
        start_in(1, 1)
        wait_in(0, 0)
        compute(0)
        start_out(0, 0)
        start_in(2, 2)
        wait_in(1, 1)
        compute(1)
        start_out(1, 1)
        wait_out(0, 0)
        start_in(3, 0)

        def group(g, _):
            t0 = g * 3 + 2
            for u in range(3):
                t = t0 + u
                sl = (2 + u) % NSLOT
                wait_in(t, sl)
                compute(sl)
                start_out(t, sl)
                wait_out(t - 1, (1 + u) % NSLOT)

                @pl.when(t + 2 < n_tiles)
                def _():
                    start_in(t + 2, (1 + u) % NSLOT)
            return 0

        lax.fori_loop(0, (n_tiles - 2) // 3, group, 0)
        wait_out(n_tiles - 1, (n_tiles - 1) % NSLOT)

    return sc_add


def kernel(concat_embeddings, pos_table):
    B, S, H = concat_embeddings.shape
    sc_add = _make_sc_add(B, S, H)
    return sc_add(concat_embeddings, pos_table)

# --- scband reference (transcript-rebuilt; emitter-appended) ---
"""Pipeline reference for scband-cross-embeddings-64476049047825 (READ-ONLY COPY).

The authoritative reference and input builder live on the scoring server;
editing this copy changes nothing except your own understanding.
"""

import jax, jax.numpy as jnp
import numpy as np

MAX_POS = 8192
HIDDEN = 4096
B, S = 4, 2048

def setup_inputs(seed: int = 0) -> dict:
    key = jax.random.key(seed)
    k1, k2 = jax.random.split(key)
    concat_embeddings = jax.random.normal(k1, (B, S, HIDDEN), dtype=jnp.float32)
    pos_table = jax.random.normal(k2, (MAX_POS, HIDDEN), dtype=jnp.float32) * 0.02
    return {"concat_embeddings": concat_embeddings, "pos_table": pos_table}

def reference(concat_embeddings, pos_table):
    # Faithful translation of CrossEmbeddings.forward (dropout is identity in eval)
    batch_size, seq_length = concat_embeddings.shape[0], concat_embeddings.shape[1]
    position_ids = jnp.arange(seq_length, dtype=jnp.int64 if jax.config.jax_enable_x64 else jnp.int32)
    position_ids = jnp.broadcast_to(position_ids[None, :], (batch_size, seq_length))
    position_embeddings = jnp.take(pos_table, position_ids, axis=0)
    embeddings = concat_embeddings + position_embeddings
    return embeddings

if __name__ == "__main__":
    import jax
    _d = setup_inputs()
    print(jax.jit(kernel)(*tuple(_d.values())))

</pallas_src>

<mosaic_0001>
#map = affine_map<(d0, d1) -> (0, 0, 0)>
#map1 = affine_map<(d0, d1) -> (0, 0)>
module attributes {stable_mosaic.version = 14 : i64} {
  func.func @sc_add(%arg0: i32, %arg1: i32, %arg2: memref<4x2048x4096xf32, #tpu.memory_space<hbm>>, %arg3: memref<8192x4096xf32, #tpu.memory_space<hbm>>, %arg4: memref<4x2048x4096xf32, #tpu.memory_space<hbm>>, %arg5: memref<8x1024xf32, #tpu.memory_space<vmem>>, %arg6: memref<8x1024xf32, #tpu.memory_space<vmem>>, %arg7: memref<8x1024xf32, #tpu.memory_space<vmem>>, %arg8: memref<4x8x1024xf32, #tpu.memory_space<vmem>>, %arg9: memref<4x8x1024xf32, #tpu.memory_space<vmem>>, %arg10: memref<4x8x1024xf32, #tpu.memory_space<vmem>>, %arg11: memref<!tpu.dma_semaphore, #tpu.memory_space<semaphore_mem>>, %arg12: memref<!tpu.dma_semaphore, #tpu.memory_space<semaphore_mem>>, %arg13: memref<!tpu.dma_semaphore, #tpu.memory_space<semaphore_mem>>, %arg14: memref<!tpu.dma_semaphore, #tpu.memory_space<semaphore_mem>>, %arg15: memref<!tpu.dma_semaphore, #tpu.memory_space<semaphore_mem>>, %arg16: memref<!tpu.dma_semaphore, #tpu.memory_space<semaphore_mem>>, %arg17: memref<!tpu.dma_semaphore, #tpu.memory_space<semaphore_mem>>, %arg18: memref<!tpu.dma_semaphore, #tpu.memory_space<semaphore_mem>>, %arg19: memref<!tpu.dma_semaphore, #tpu.memory_space<semaphore_mem>>) attributes {dimension_semantics = [#tpu.dimension_semantics<core_parallel>, #tpu.dimension_semantics<subcore_parallel>], iteration_bounds = array<i64: 2, 16>, scalar_prefetch = 0 : i64, scratch_operands = 15 : i64, tpu.core_type = #tpu.core_type<sc_vector_subcore>, window_params = [{transform_indices = #map}, {transform_indices = #map1}, {transform_indices = #map}]} {
    %mul3A = arith.constant 2 : i32
    %mul3A_0 = arith.muli %arg1, %mul3A : i32
    %add3A = arith.addi %mul3A_0, %arg0 : i32
    %mul3A_1 = arith.constant 64 : i32
    %mul3A_2 = arith.muli %add3A, %mul3A_1 : i32
    %add3A_3 = arith.constant 0 : i32
    %add3A_4 = arith.addi %mul3A_2, %add3A_3 : i32
    %dma_start3A = arith.constant 0 : i32
    %dma_start3A_5 = tpu.memref_slice %arg3[%add3A_4, %dma_start3A] : memref<8192x4096xf32, #tpu.memory_space<hbm>> -> memref<8x1024xf32, #tpu.memory_space<hbm>>
    %dma_start3A_6 = arith.constant 0 : i32
    %dma_start3A_7 = tpu.memref_slice %arg3[%add3A_4, %dma_start3A_6] : memref<8192x4096xf32, #tpu.memory_space<hbm>> -> memref<8x1024xf32, #tpu.memory_space<hbm>>
    tpu.enqueue_dma source(%dma_start3A_7 : memref<8x1024xf32, #tpu.memory_space<hbm>>) target(%arg5 : memref<8x1024xf32, #tpu.memory_space<vmem>>) target_semaphore(%arg11 : memref<!tpu.dma_semaphore, #tpu.memory_space<semaphore_mem>>)
    %dma_start3A_8 = arith.constant 0 : i32
    %dma_start3A_9 = arith.constant 0 : i32
    %dma_start3A_10 = tpu.memref_slice %arg2[%dma_start3A_8, %add3A_4, %dma_start3A_9] : memref<4x2048x4096xf32, #tpu.memory_space<hbm>> -> memref<4x8x1024xf32, #tpu.memory_space<hbm>>
    %dma_start3A_11 = arith.constant 0 : i32
    %dma_start3A_12 = arith.constant 0 : i32
    %dma_start3A_13 = tpu.memref_slice %arg2[%dma_start3A_11, %add3A_4, %dma_start3A_12] : memref<4x2048x4096xf32, #tpu.memory_space<hbm>> -> memref<4x8x1024xf32, #tpu.memory_space<hbm>>
    tpu.enqueue_dma source(%dma_start3A_13 : memref<4x8x1024xf32, #tpu.memory_space<hbm>>) target(%arg8 : memref<4x8x1024xf32, #tpu.memory_space<vmem>>) target_semaphore(%arg14 : memref<!tpu.dma_semaphore, #tpu.memory_space<semaphore_mem>>)
    %add3A_14 = arith.constant 0 : i32
    %add3A_15 = arith.addi %mul3A_2, %add3A_14 : i32
    %dma_start3A_16 = arith.constant 1024 : i32
    %dma_start3A_17 = tpu.memref_slice %arg3[%add3A_15, %dma_start3A_16] : memref<8192x4096xf32, #tpu.memory_space<hbm>> -> memref<8x1024xf32, #tpu.memory_space<hbm>>
    %dma_start3A_18 = arith.constant 1024 : i32
    %dma_start3A_19 = tpu.memref_slice %arg3[%add3A_15, %dma_start3A_18] : memref<8192x4096xf32, #tpu.memory_space<hbm>> -> memref<8x1024xf32, #tpu.memory_space<hbm>>
    tpu.enqueue_dma source(%dma_start3A_19 : memref<8x1024xf32, #tpu.memory_space<hbm>>) target(%arg6 : memref<8x1024xf32, #tpu.memory_space<vmem>>) target_semaphore(%arg12 : memref<!tpu.dma_semaphore, #tpu.memory_space<semaphore_mem>>)
    %dma_start3A_20 = arith.constant 0 : i32
    %dma_start3A_21 = arith.constant 1024 : i32
    %dma_start3A_22 = tpu.memref_slice %arg2[%dma_start3A_20, %add3A_15, %dma_start3A_21] : memref<4x2048x4096xf32, #tpu.memory_space<hbm>> -> memref<4x8x1024xf32, #tpu.memory_space<hbm>>
    %dma_start3A_23 = arith.constant 0 : i32
    %dma_start3A_24 = arith.constant 1024 : i32
    %dma_start3A_25 = tpu.memref_slice %arg2[%dma_start3A_23, %add3A_15, %dma_start3A_24] : memref<4x2048x4096xf32, #tpu.memory_space<hbm>> -> memref<4x8x1024xf32, #tpu.memory_space<hbm>>
    tpu.enqueue_dma source(%dma_start3A_25 : memref<4x8x1024xf32, #tpu.memory_space<hbm>>) target(%arg9 : memref<4x8x1024xf32, #tpu.memory_space<vmem>>) target_semaphore(%arg15 : memref<!tpu.dma_semaphore, #tpu.memory_space<semaphore_mem>>)
    %add3A_26 = arith.constant 0 : i32
    %add3A_27 = arith.addi %mul3A_2, %add3A_26 : i32
    %dma_wait3A = arith.constant 0 : i32
    %dma_wait3A_28 = tpu.memref_slice %arg3[%add3A_27, %dma_wait3A] : memref<8192x4096xf32, #tpu.memory_space<hbm>> -> memref<8x1024xf32, #tpu.memory_space<hbm>>
    %dma_wait3A_29 = arith.constant 0 : i32
    %dma_wait3A_30 = tpu.memref_slice %arg3[%add3A_27, %dma_wait3A_29] : memref<8192x4096xf32, #tpu.memory_space<hbm>> -> memref<8x1024xf32, #tpu.memory_space<hbm>>
    tpu.wait_dma2 semaphore(%arg11 : memref<!tpu.dma_semaphore, #tpu.memory_space<semaphore_mem>>) src(%dma_wait3A_30 : memref<8x1024xf32, #tpu.memory_space<hbm>>) dst(%arg5 : memref<8x1024xf32, #tpu.memory_space<vmem>>)
    %dma_wait3A_31 = arith.constant 0 : i32
    %dma_wait3A_32 = arith.constant 0 : i32
    %dma_wait3A_33 = tpu.memref_slice %arg2[%dma_wait3A_31, %add3A_27, %dma_wait3A_32] : memref<4x2048x4096xf32, #tpu.memory_space<hbm>> -> memref<4x8x1024xf32, #tpu.memory_space<hbm>>
    %dma_wait3A_34 = arith.constant 0 : i32
    %dma_wait3A_35 = arith.constant 0 : i32
    %dma_wait3A_36 = tpu.memref_slice %arg2[%dma_wait3A_34, %add3A_27, %dma_wait3A_35] : memref<4x2048x4096xf32, #tpu.memory_space<hbm>> -> memref<4x8x1024xf32, #tpu.memory_space<hbm>>
    tpu.wait_dma2 semaphore(%arg14 : memref<!tpu.dma_semaphore, #tpu.memory_space<semaphore_mem>>) src(%dma_wait3A_36 : memref<4x8x1024xf32, #tpu.memory_space<hbm>>) dst(%arg8 : memref<4x8x1024xf32, #tpu.memory_space<vmem>>)
    %parallel_loop3A = arith.constant 0 : i32
    %parallel_loop3A_37 = arith.constant 512 : i32
    %parallel_loop3A_38 = arith.constant 1 : i32
    scf.for %parallel_loop3A_116 = %parallel_loop3A to %parallel_loop3A_37 step %parallel_loop3A_38  : i32 {
      %parallel_loop3A_117 = arith.constant 7 : i32
      %parallel_loop3A_118 = arith.andi %parallel_loop3A_116, %parallel_loop3A_117 : i32
      %parallel_loop3A_119 = arith.constant 3 : i32
      %parallel_loop3A_120 = arith.shrsi %parallel_loop3A_116, %parallel_loop3A_119 : i32
      %parallel_loop3A_121 = arith.constant 16 : i32
      %parallel_loop3A_122 = arith.muli %parallel_loop3A_120, %parallel_loop3A_121 : i32
      %parallel_loop3A_123 = arith.index_cast %parallel_loop3A_118 : i32 to index
      %parallel_loop3A_124 = arith.index_cast %parallel_loop3A_122 : i32 to index
      %parallel_loop3A_125 = tpu.vector_load %arg5[%parallel_loop3A_123, %parallel_loop3A_124] {strides = array<i32>} : memref<8x1024xf32, #tpu.memory_space<vmem>>, vector<1x16xf32>,
      %parallel_loop3A_126 = vector.shape_cast %parallel_loop3A_125 : vector<1x16xf32> to vector<16xf32>
      %parallel_loop3A_127 = arith.constant 0 : i32
      %parallel_loop3A_128 = arith.index_cast %parallel_loop3A_127 : i32 to index
      %parallel_loop3A_129 = arith.index_cast %parallel_loop3A_118 : i32 to index
      %parallel_loop3A_130 = arith.index_cast %parallel_loop3A_122 : i32 to index
      %parallel_loop3A_131 = tpu.vector_load %arg8[%parallel_loop3A_128, %parallel_loop3A_129, %parallel_loop3A_130] {strides = array<i32>} : memref<4x8x1024xf32, #tpu.memory_space<vmem>>, vector<1x1x16xf32>,
      %parallel_loop3A_132 = vector.shape_cast %parallel_loop3A_131 : vector<1x1x16xf32> to vector<16xf32>
      %parallel_loop3A_133 = arith.addf %parallel_loop3A_132, %parallel_loop3A_126 : vector<16xf32>
      %parallel_loop3A_134 = arith.constant 0 : i32
      %parallel_loop3A_135 = arith.index_cast %parallel_loop3A_134 : i32 to index
      %parallel_loop3A_136 = arith.index_cast %parallel_loop3A_118 : i32 to index
      %parallel_loop3A_137 = arith.index_cast %parallel_loop3A_122 : i32 to index
      %parallel_loop3A_138 = tpu.vector_load %arg8[%parallel_loop3A_135, %parallel_loop3A_136, %parallel_loop3A_137] {strides = array<i32>} : memref<4x8x1024xf32, #tpu.memory_space<vmem>>, vector<1x1x16xf32>,
      %parallel_loop3A_139 = vector.shape_cast %parallel_loop3A_138 : vector<1x1x16xf32> to vector<16xf32>
      %parallel_loop3A_140 = vector.shape_cast %parallel_loop3A_133 : vector<16xf32> to vector<1x1x16xf32>
      tpu.vector_store %arg8[%parallel_loop3A_135, %parallel_loop3A_136, %parallel_loop3A_137], %parallel_loop3A_140 {strides = array<i32>} : memref<4x8x1024xf32, #tpu.memory_space<vmem>>, vector<1x1x16xf32>,
      %parallel_loop3A_141 = arith.constant 1 : i32
      %parallel_loop3A_142 = arith.index_cast %parallel_loop3A_141 : i32 to index
      %parallel_loop3A_143 = arith.index_cast %parallel_loop3A_118 : i32 to index
      %parallel_loop3A_144 = arith.index_cast %parallel_loop3A_122 : i32 to index
      %parallel_loop3A_145 = tpu.vector_load %arg8[%parallel_loop3A_142, %parallel_loop3A_143, %parallel_loop3A_144] {strides = array<i32>} : memref<4x8x1024xf32, #tpu.memory_space<vmem>>, vector<1x1x16xf32>,
      %parallel_loop3A_146 = vector.shape_cast %parallel_loop3A_145 : vector<1x1x16xf32> to vector<16xf32>
      %parallel_loop3A_147 = arith.addf %parallel_loop3A_146, %parallel_loop3A_126 : vector<16xf32>
      %parallel_loop3A_148 = arith.constant 1 : i32
      %parallel_loop3A_149 = arith.index_cast %parallel_loop3A_148 : i32 to index
      %parallel_loop3A_150 = arith.index_cast %parallel_loop3A_118 : i32 to index
      %parallel_loop3A_151 = arith.index_cast %parallel_loop3A_122 : i32 to index
      %parallel_loop3A_152 = tpu.vector_load %arg8[%parallel_loop3A_149, %parallel_loop3A_150, %parallel_loop3A_151] {strides = array<i32>} : memref<4x8x1024xf32, #tpu.memory_space<vmem>>, vector<1x1x16xf32>,
      %parallel_loop3A_153 = vector.shape_cast %parallel_loop3A_152 : vector<1x1x16xf32> to vector<16xf32>
      %parallel_loop3A_154 = vector.shape_cast %parallel_loop3A_147 : vector<16xf32> to vector<1x1x16xf32>
      tpu.vector_store %arg8[%parallel_loop3A_149, %parallel_loop3A_150, %parallel_loop3A_151], %parallel_loop3A_154 {strides = array<i32>} : memref<4x8x1024xf32, #tpu.memory_space<vmem>>, vector<1x1x16xf32>,
      %parallel_loop3A_155 = arith.constant 2 : i32
      %parallel_loop3A_156 = arith.index_cast %parallel_loop3A_155 : i32 to index
      %parallel_loop3A_157 = arith.index_cast %parallel_loop3A_118 : i32 to index
      %parallel_loop3A_158 = arith.index_cast %parallel_loop3A_122 : i32 to index
      %parallel_loop3A_159 = tpu.vector_load %arg8[%parallel_loop3A_156, %parallel_loop3A_157, %parallel_loop3A_158] {strides = array<i32>} : memref<4x8x1024xf32, #tpu.memory_space<vmem>>, vector<1x1x16xf32>,
      %parallel_loop3A_160 = vector.shape_cast %parallel_loop3A_159 : vector<1x1x16xf32> to vector<16xf32>
      %parallel_loop3A_161 = arith.addf %parallel_loop3A_160, %parallel_loop3A_126 : vector<16xf32>
      %parallel_loop3A_162 = arith.constant 2 : i32
      %parallel_loop3A_163 = arith.index_cast %parallel_loop3A_162 : i32 to index
      %parallel_loop3A_164 = arith.index_cast %parallel_loop3A_118 : i32 to index
      %parallel_loop3A_165 = arith.index_cast %parallel_loop3A_122 : i32 to index
      %parallel_loop3A_166 = tpu.vector_load %arg8[%parallel_loop3A_163, %parallel_loop3A_164, %parallel_loop3A_165] {strides = array<i32>} : memref<4x8x1024xf32, #tpu.memory_space<vmem>>, vector<1x1x16xf32>,
      %parallel_loop3A_167 = vector.shape_cast %parallel_loop3A_166 : vector<1x1x16xf32> to vector<16xf32>
      %parallel_loop3A_168 = vector.shape_cast %parallel_loop3A_161 : vector<16xf32> to vector<1x1x16xf32>
      tpu.vector_store %arg8[%parallel_loop3A_163, %parallel_loop3A_164, %parallel_loop3A_165], %parallel_loop3A_168 {strides = array<i32>} : memref<4x8x1024xf32, #tpu.memory_space<vmem>>, vector<1x1x16xf32>,
      %parallel_loop3A_169 = arith.constant 3 : i32
      %parallel_loop3A_170 = arith.index_cast %parallel_loop3A_169 : i32 to index
      %parallel_loop3A_171 = arith.index_cast %parallel_loop3A_118 : i32 to index
      %parallel_loop3A_172 = arith.index_cast %parallel_loop3A_122 : i32 to index
      %parallel_loop3A_173 = tpu.vector_load %arg8[%parallel_loop3A_170, %parallel_loop3A_171, %parallel_loop3A_172] {strides = array<i32>} : memref<4x8x1024xf32, #tpu.memory_space<vmem>>, vector<1x1x16xf32>,
      %parallel_loop3A_174 = vector.shape_cast %parallel_loop3A_173 : vector<1x1x16xf32> to vector<16xf32>
      %parallel_loop3A_175 = arith.addf %parallel_loop3A_174, %parallel_loop3A_126 : vector<16xf32>
      %parallel_loop3A_176 = arith.constant 3 : i32
      %parallel_loop3A_177 = arith.index_cast %parallel_loop3A_176 : i32 to index
      %parallel_loop3A_178 = arith.index_cast %parallel_loop3A_118 : i32 to index
      %parallel_loop3A_179 = arith.index_cast %parallel_loop3A_122 : i32 to index
      %parallel_loop3A_180 = tpu.vector_load %arg8[%parallel_loop3A_177, %parallel_loop3A_178, %parallel_loop3A_179] {strides = array<i32>} : memref<4x8x1024xf32, #tpu.memory_space<vmem>>, vector<1x1x16xf32>,
      %parallel_loop3A_181 = vector.shape_cast %parallel_loop3A_180 : vector<1x1x16xf32> to vector<16xf32>
      %parallel_loop3A_182 = vector.shape_cast %parallel_loop3A_175 : vector<16xf32> to vector<1x1x16xf32>
      tpu.vector_store %arg8[%parallel_loop3A_177, %parallel_loop3A_178, %parallel_loop3A_179], %parallel_loop3A_182 {strides = array<i32>} : memref<4x8x1024xf32, #tpu.memory_space<vmem>>, vector<1x1x16xf32>,
    } {sc.loop_unroll_factor = 1 : i64, sc.parallel_access}
    %add3A_39 = arith.constant 0 : i32
    %add3A_40 = arith.addi %mul3A_2, %add3A_39 : i32
    %dma_start3A_41 = arith.constant 0 : i32
    %dma_start3A_42 = arith.constant 0 : i32
    %dma_start3A_43 = tpu.memref_slice %arg4[%dma_start3A_41, %add3A_40, %dma_start3A_42] : memref<4x2048x4096xf32, #tpu.memory_space<hbm>> -> memref<4x8x1024xf32, #tpu.memory_space<hbm>>
    %dma_start3A_44 = arith.constant 0 : i32
    %dma_start3A_45 = arith.constant 0 : i32
    %dma_start3A_46 = tpu.memref_slice %arg4[%dma_start3A_44, %add3A_40, %dma_start3A_45] : memref<4x2048x4096xf32, #tpu.memory_space<hbm>> -> memref<4x8x1024xf32, #tpu.memory_space<hbm>>
    tpu.enqueue_dma source(%arg8 : memref<4x8x1024xf32, #tpu.memory_space<vmem>>) target(%dma_start3A_46 : memref<4x8x1024xf32, #tpu.memory_space<hbm>>) target_semaphore(%arg17 : memref<!tpu.dma_semaphore, #tpu.memory_space<semaphore_mem>>)
    %add3A_47 = arith.constant 0 : i32
    %add3A_48 = arith.addi %mul3A_2, %add3A_47 : i32
    %dma_start3A_49 = arith.constant 2048 : i32
    %dma_start3A_50 = tpu.memref_slice %arg3[%add3A_48, %dma_start3A_49] : memref<8192x4096xf32, #tpu.memory_space<hbm>> -> memref<8x1024xf32, #tpu.memory_space<hbm>>
    %dma_start3A_51 = arith.constant 2048 : i32
    %dma_start3A_52 = tpu.memref_slice %arg3[%add3A_48, %dma_start3A_51] : memref<8192x4096xf32, #tpu.memory_space<hbm>> -> memref<8x1024xf32, #tpu.memory_space<hbm>>
    tpu.enqueue_dma source(%dma_start3A_52 : memref<8x1024xf32, #tpu.memory_space<hbm>>) target(%arg7 : memref<8x1024xf32, #tpu.memory_space<vmem>>) target_semaphore(%arg13 : memref<!tpu.dma_semaphore, #tpu.memory_space<semaphore_mem>>)
    %dma_start3A_53 = arith.constant 0 : i32
    %dma_start3A_54 = arith.constant 2048 : i32
    %dma_start3A_55 = tpu.memref_slice %arg2[%dma_start3A_53, %add3A_48, %dma_start3A_54] : memref<4x2048x4096xf32, #tpu.memory_space<hbm>> -> memref<4x8x1024xf32, #tpu.memory_space<hbm>>
    %dma_start3A_56 = arith.constant 0 : i32
    %dma_start3A_57 = arith.constant 2048 : i32
    %dma_start3A_58 = tpu.memref_slice %arg2[%dma_start3A_56, %add3A_48, %dma_start3A_57] : memref<4x2048x4096xf32, #tpu.memory_space<hbm>> -> memref<4x8x1024xf32, #tpu.memory_space<hbm>>
    tpu.enqueue_dma source(%dma_start3A_58 : memref<4x8x1024xf32, #tpu.memory_space<hbm>>) target(%arg10 : memref<4x8x1024xf32, #tpu.memory_space<vmem>>) target_semaphore(%arg16 : memref<!tpu.dma_semaphore, #tpu.memory_space<semaphore_mem>>)
    %add3A_59 = arith.constant 0 : i32
    %add3A_60 = arith.addi %mul3A_2, %add3A_59 : i32
    %dma_wait3A_61 = arith.constant 1024 : i32
    %dma_wait3A_62 = tpu.memref_slice %arg3[%add3A_60, %dma_wait3A_61] : memref<8192x4096xf32, #tpu.memory_space<hbm>> -> memref<8x1024xf32, #tpu.memory_space<hbm>>
    %dma_wait3A_63 = arith.constant 1024 : i32
    %dma_wait3A_64 = tpu.memref_slice %arg3[%add3A_60, %dma_wait3A_63] : memref<8192x4096xf32, #tpu.memory_space<hbm>> -> memref<8x1024xf32, #tpu.memory_space<hbm>>
    tpu.wait_dma2 semaphore(%arg12 : memref<!tpu.dma_semaphore, #tpu.memory_space<semaphore_mem>>) src(%dma_wait3A_64 : memref<8x1024xf32, #tpu.memory_space<hbm>>) dst(%arg6 : memref<8x1024xf32, #tpu.memory_space<vmem>>)
    %dma_wait3A_65 = arith.constant 0 : i32
    %dma_wait3A_66 = arith.constant 1024 : i32
    %dma_wait3A_67 = tpu.memref_slice %arg2[%dma_wait3A_65, %add3A_60, %dma_wait3A_66] : memref<4x2048x4096xf32, #tpu.memory_space<hbm>> -> memref<4x8x1024xf32, #tpu.memory_space<hbm>>
    %dma_wait3A_68 = arith.constant 0 : i32
    %dma_wait3A_69 = arith.constant 1024 : i32
    %dma_wait3A_70 = tpu.memref_slice %arg2[%dma_wait3A_68, %add3A_60, %dma_wait3A_69] : memref<4x2048x4096xf32, #tpu.memory_space<hbm>> -> memref<4x8x1024xf32, #tpu.memory_space<hbm>>
    tpu.wait_dma2 semaphore(%arg15 : memref<!tpu.dma_semaphore, #tpu.memory_space<semaphore_mem>>) src(%dma_wait3A_70 : memref<4x8x1024xf32, #tpu.memory_space<hbm>>) dst(%arg9 : memref<4x8x1024xf32, #tpu.memory_space<vmem>>)
    %parallel_loop3A_71 = arith.constant 0 : i32
    %parallel_loop3A_72 = arith.constant 512 : i32
    %parallel_loop3A_73 = arith.constant 1 : i32
    scf.for %parallel_loop3A_116 = %parallel_loop3A_71 to %parallel_loop3A_72 step %parallel_loop3A_73  : i32 {
      %parallel_loop3A_117 = arith.constant 7 : i32
      %parallel_loop3A_118 = arith.andi %parallel_loop3A_116, %parallel_loop3A_117 : i32
      %parallel_loop3A_119 = arith.constant 3 : i32
      %parallel_loop3A_120 = arith.shrsi %parallel_loop3A_116, %parallel_loop3A_119 : i32
      %parallel_loop3A_121 = arith.constant 16 : i32
      %parallel_loop3A_122 = arith.muli %parallel_loop3A_120, %parallel_loop3A_121 : i32
      %parallel_loop3A_123 = arith.index_cast %parallel_loop3A_118 : i32 to index
      %parallel_loop3A_124 = arith.index_cast %parallel_loop3A_122 : i32 to index
      %parallel_loop3A_125 = tpu.vector_load %arg6[%parallel_loop3A_123, %parallel_loop3A_124] {strides = array<i32>} : memref<8x1024xf32, #tpu.memory_space<vmem>>, vector<1x16xf32>,
      %parallel_loop3A_126 = vector.shape_cast %parallel_loop3A_125 : vector<1x16xf32> to vector<16xf32>
      %parallel_loop3A_127 = arith.constant 0 : i32
      %parallel_loop3A_128 = arith.index_cast %parallel_loop3A_127 : i32 to index
      %parallel_loop3A_129 = arith.index_cast %parallel_loop3A_118 : i32 to index
      %parallel_loop3A_130 = arith.index_cast %parallel_loop3A_122 : i32 to index
      %parallel_loop3A_131 = tpu.vector_load %arg9[%parallel_loop3A_128, %parallel_loop3A_129, %parallel_loop3A_130] {strides = array<i32>} : memref<4x8x1024xf32, #tpu.memory_space<vmem>>, vector<1x1x16xf32>,
      %parallel_loop3A_132 = vector.shape_cast %parallel_loop3A_131 : vector<1x1x16xf32> to vector<16xf32>
      %parallel_loop3A_133 = arith.addf %parallel_loop3A_132, %parallel_loop3A_126 : vector<16xf32>
      %parallel_loop3A_134 = arith.constant 0 : i32
      %parallel_loop3A_135 = arith.index_cast %parallel_loop3A_134 : i32 to index
      %parallel_loop3A_136 = arith.index_cast %parallel_loop3A_118 : i32 to index
      %parallel_loop3A_137 = arith.index_cast %parallel_loop3A_122 : i32 to index
      %parallel_loop3A_138 = tpu.vector_load %arg9[%parallel_loop3A_135, %parallel_loop3A_136, %parallel_loop3A_137] {strides = array<i32>} : memref<4x8x1024xf32, #tpu.memory_space<vmem>>, vector<1x1x16xf32>,
      %parallel_loop3A_139 = vector.shape_cast %parallel_loop3A_138 : vector<1x1x16xf32> to vector<16xf32>
      %parallel_loop3A_140 = vector.shape_cast %parallel_loop3A_133 : vector<16xf32> to vector<1x1x16xf32>
      tpu.vector_store %arg9[%parallel_loop3A_135, %parallel_loop3A_136, %parallel_loop3A_137], %parallel_loop3A_140 {strides = array<i32>} : memref<4x8x1024xf32, #tpu.memory_space<vmem>>, vector<1x1x16xf32>,
      %parallel_loop3A_141 = arith.constant 1 : i32
      %parallel_loop3A_142 = arith.index_cast %parallel_loop3A_141 : i32 to index
      %parallel_loop3A_143 = arith.index_cast %parallel_loop3A_118 : i32 to index
      %parallel_loop3A_144 = arith.index_cast %parallel_loop3A_122 : i32 to index
      %parallel_loop3A_145 = tpu.vector_load %arg9[%parallel_loop3A_142, %parallel_loop3A_143, %parallel_loop3A_144] {strides = array<i32>} : memref<4x8x1024xf32, #tpu.memory_space<vmem>>, vector<1x1x16xf32>,
      %parallel_loop3A_146 = vector.shape_cast %parallel_loop3A_145 : vector<1x1x16xf32> to vector<16xf32>
      %parallel_loop3A_147 = arith.addf %parallel_loop3A_146, %parallel_loop3A_126 : vector<16xf32>
      %parallel_loop3A_148 = arith.constant 1 : i32
      %parallel_loop3A_149 = arith.index_cast %parallel_loop3A_148 : i32 to index
      %parallel_loop3A_150 = arith.index_cast %parallel_loop3A_118 : i32 to index
      %parallel_loop3A_151 = arith.index_cast %parallel_loop3A_122 : i32 to index
      %parallel_loop3A_152 = tpu.vector_load %arg9[%parallel_loop3A_149, %parallel_loop3A_150, %parallel_loop3A_151] {strides = array<i32>} : memref<4x8x1024xf32, #tpu.memory_space<vmem>>, vector<1x1x16xf32>,
      %parallel_loop3A_153 = vector.shape_cast %parallel_loop3A_152 : vector<1x1x16xf32> to vector<16xf32>
      %parallel_loop3A_154 = vector.shape_cast %parallel_loop3A_147 : vector<16xf32> to vector<1x1x16xf32>
      tpu.vector_store %arg9[%parallel_loop3A_149, %parallel_loop3A_150, %parallel_loop3A_151], %parallel_loop3A_154 {strides = array<i32>} : memref<4x8x1024xf32, #tpu.memory_space<vmem>>, vector<1x1x16xf32>,
      %parallel_loop3A_155 = arith.constant 2 : i32
      %parallel_loop3A_156 = arith.index_cast %parallel_loop3A_155 : i32 to index
      %parallel_loop3A_157 = arith.index_cast %parallel_loop3A_118 : i32 to index
      %parallel_loop3A_158 = arith.index_cast %parallel_loop3A_122 : i32 to index
      %parallel_loop3A_159 = tpu.vector_load %arg9[%parallel_loop3A_156, %parallel_loop3A_157, %parallel_loop3A_158] {strides = array<i32>} : memref<4x8x1024xf32, #tpu.memory_space<vmem>>, vector<1x1x16xf32>,
      %parallel_loop3A_160 = vector.shape_cast %parallel_loop3A_159 : vector<1x1x16xf32> to vector<16xf32>
      %parallel_loop3A_161 = arith.addf %parallel_loop3A_160, %parallel_loop3A_126 : vector<16xf32>
      %parallel_loop3A_162 = arith.constant 2 : i32
      %parallel_loop3A_163 = arith.index_cast %parallel_loop3A_162 : i32 to index
      %parallel_loop3A_164 = arith.index_cast %parallel_loop3A_118 : i32 to index
      %parallel_loop3A_165 = arith.index_cast %parallel_loop3A_122 : i32 to index
      %parallel_loop3A_166 = tpu.vector_load %arg9[%parallel_loop3A_163, %parallel_loop3A_164, %parallel_loop3A_165] {strides = array<i32>} : memref<4x8x1024xf32, #tpu.memory_space<vmem>>, vector<1x1x16xf32>,
      %parallel_loop3A_167 = vector.shape_cast %parallel_loop3A_166 : vector<1x1x16xf32> to vector<16xf32>
      %parallel_loop3A_168 = vector.shape_cast %parallel_loop3A_161 : vector<16xf32> to vector<1x1x16xf32>
      tpu.vector_store %arg9[%parallel_loop3A_163, %parallel_loop3A_164, %parallel_loop3A_165], %parallel_loop3A_168 {strides = array<i32>} : memref<4x8x1024xf32, #tpu.memory_space<vmem>>, vector<1x1x16xf32>,
      %parallel_loop3A_169 = arith.constant 3 : i32
      %parallel_loop3A_170 = arith.index_cast %parallel_loop3A_169 : i32 to index
      %parallel_loop3A_171 = arith.index_cast %parallel_loop3A_118 : i32 to index
      %parallel_loop3A_172 = arith.index_cast %parallel_loop3A_122 : i32 to index
      %parallel_loop3A_173 = tpu.vector_load %arg9[%parallel_loop3A_170, %parallel_loop3A_171, %parallel_loop3A_172] {strides = array<i32>} : memref<4x8x1024xf32, #tpu.memory_space<vmem>>, vector<1x1x16xf32>,
      %parallel_loop3A_174 = vector.shape_cast %parallel_loop3A_173 : vector<1x1x16xf32> to vector<16xf32>
      %parallel_loop3A_175 = arith.addf %parallel_loop3A_174, %parallel_loop3A_126 : vector<16xf32>
      %parallel_loop3A_176 = arith.constant 3 : i32
      %parallel_loop3A_177 = arith.index_cast %parallel_loop3A_176 : i32 to index
      %parallel_loop3A_178 = arith.index_cast %parallel_loop3A_118 : i32 to index
      %parallel_loop3A_179 = arith.index_cast %parallel_loop3A_122 : i32 to index
      %parallel_loop3A_180 = tpu.vector_load %arg9[%parallel_loop3A_177, %parallel_loop3A_178, %parallel_loop3A_179] {strides = array<i32>} : memref<4x8x1024xf32, #tpu.memory_space<vmem>>, vector<1x1x16xf32>,
      %parallel_loop3A_181 = vector.shape_cast %parallel_loop3A_180 : vector<1x1x16xf32> to vector<16xf32>
      %parallel_loop3A_182 = vector.shape_cast %parallel_loop3A_175 : vector<16xf32> to vector<1x1x16xf32>
      tpu.vector_store %arg9[%parallel_loop3A_177, %parallel_loop3A_178, %parallel_loop3A_179], %parallel_loop3A_182 {strides = array<i32>} : memref<4x8x1024xf32, #tpu.memory_space<vmem>>, vector<1x1x16xf32>,
    } {sc.loop_unroll_factor = 1 : i64, sc.parallel_access}
    %add3A_74 = arith.constant 0 : i32
    %add3A_75 = arith.addi %mul3A_2, %add3A_74 : i32
    %dma_start3A_76 = arith.constant 0 : i32
    %dma_start3A_77 = arith.constant 1024 : i32
    %dma_start3A_78 = tpu.memref_slice %arg4[%dma_start3A_76, %add3A_75, %dma_start3A_77] : memref<4x2048x4096xf32, #tpu.memory_space<hbm>> -> memref<4x8x1024xf32, #tpu.memory_space<hbm>>
    %dma_start3A_79 = arith.constant 0 : i32
    %dma_start3A_80 = arith.constant 1024 : i32
    %dma_start3A_81 = tpu.memref_slice %arg4[%dma_start3A_79, %add3A_75, %dma_start3A_80] : memref<4x2048x4096xf32, #tpu.memory_space<hbm>> -> memref<4x8x1024xf32, #tpu.memory_space<hbm>>
    tpu.enqueue_dma source(%arg9 : memref<4x8x1024xf32, #tpu.memory_space<vmem>>) target(%dma_start3A_81 : memref<4x8x1024xf32, #tpu.memory_space<hbm>>) target_semaphore(%arg18 : memref<!tpu.dma_semaphore, #tpu.memory_space<semaphore_mem>>)
    %add3A_82 = arith.constant 0 : i32
    %add3A_83 = arith.addi %mul3A_2, %add3A_82 : i32
    %dma_wait3A_84 = arith.constant 0 : i32
    %dma_wait3A_85 = arith.constant 0 : i32
    %dma_wait3A_86 = tpu.memref_slice %arg4[%dma_wait3A_84, %add3A_83, %dma_wait3A_85] : memref<4x2048x4096xf32, #tpu.memory_space<hbm>> -> memref<4x8x1024xf32, #tpu.memory_space<hbm>>
    %dma_wait3A_87 = arith.constant 0 : i32
    %dma_wait3A_88 = arith.constant 0 : i32
    %dma_wait3A_89 = tpu.memref_slice %arg4[%dma_wait3A_87, %add3A_83, %dma_wait3A_88] : memref<4x2048x4096xf32, #tpu.memory_space<hbm>> -> memref<4x8x1024xf32, #tpu.memory_space<hbm>>
    tpu.wait_dma2 semaphore(%arg17 : memref<!tpu.dma_semaphore, #tpu.memory_space<semaphore_mem>>) src(%arg8 : memref<4x8x1024xf32, #tpu.memory_space<vmem>>) dst(%dma_wait3A_89 : memref<4x8x1024xf32, #tpu.memory_space<hbm>>)
    %add3A_90 = arith.constant 0 : i32
    %add3A_91 = arith.addi %mul3A_2, %add3A_90 : i32
    %dma_start3A_92 = arith.constant 3072 : i32
    %dma_start3A_93 = tpu.memref_slice %arg3[%add3A_91, %dma_start3A_92] : memref<8192x4096xf32, #tpu.memory_space<hbm>> -> memref<8x1024xf32, #tpu.memory_space<hbm>>
    %dma_start3A_94 = arith.constant 3072 : i32
    %dma_start3A_95 = tpu.memref_slice %arg3[%add3A_91, %dma_start3A_94] : memref<8192x4096xf32, #tpu.memory_space<hbm>> -> memref<8x1024xf32, #tpu.memory_space<hbm>>
    tpu.enqueue_dma source(%dma_start3A_95 : memref<8x1024xf32, #tpu.memory_space<hbm>>) target(%arg5 : memref<8x1024xf32, #tpu.memory_space<vmem>>) target_semaphore(%arg11 : memref<!tpu.dma_semaphore, #tpu.memory_space<semaphore_mem>>)
    %dma_start3A_96 = arith.constant 0 : i32
    %dma_start3A_97 = arith.constant 3072 : i32
    %dma_start3A_98 = tpu.memref_slice %arg2[%dma_start3A_96, %add3A_91, %dma_start3A_97] : memref<4x2048x4096xf32, #tpu.memory_space<hbm>> -> memref<4x8x1024xf32, #tpu.memory_space<hbm>>
    %dma_start3A_99 = arith.constant 0 : i32
    %dma_start3A_100 = arith.constant 3072 : i32
    %dma_start3A_101 = tpu.memref_slice %arg2[%dma_start3A_99, %add3A_91, %dma_start3A_100] : memref<4x2048x4096xf32, #tpu.memory_space<hbm>> -> memref<4x8x1024xf32, #tpu.memory_space<hbm>>
    tpu.enqueue_dma source(%dma_start3A_101 : memref<4x8x1024xf32, #tpu.memory_space<hbm>>) target(%arg8 : memref<4x8x1024xf32, #tpu.memory_space<vmem>>) target_semaphore(%arg14 : memref<!tpu.dma_semaphore, #tpu.memory_space<semaphore_mem>>)
    %scan3A = arith.constant 0 : i32
    %scan3A_102 = arith.constant 0 : i32
    %scan3A_103 = arith.constant 10 : i32
    %scan3A_104 = arith.addi %scan3A_102, %scan3A_103 : i32
    %scan3A_105 = arith.constant 1 : i32
    %scan3A_106 = scf.for %scan3A_116 = %scan3A_102 to %scan3A_104 step %scan3A_105 iter_args(%scan3A_117 = %scan3A) -> (i32)  : i32 {
      %mul3A_118 = arith.constant 3 : i32
      %mul3A_119 = arith.muli %scan3A_116, %mul3A_118 : i32
      %add3A_120 = arith.constant 2 : i32
      %add3A_121 = arith.addi %mul3A_119, %add3A_120 : i32
      %add3A_122 = arith.constant 0 : i32
      %add3A_123 = arith.addi %add3A_121, %add3A_122 : i32
      %jit3A = arith.constant 4 : i32
      %div3A = arith.divsi %add3A_123, %jit3A : i32
      %sign3A = arith.constant 0 : i32
      %sign3A_124 = arith.cmpi sgt, %add3A_123, %sign3A : i32
      %sign3A_125 = arith.extui %sign3A_124 : i1 to i32
      %sign3A_126 = arith.constant 0 : i32
      %sign3A_127 = arith.cmpi slt, %add3A_123, %sign3A_126 : i32
      %sign3A_128 = arith.extui %sign3A_127 : i1 to i32
      %sign3A_129 = arith.subi %sign3A_125, %sign3A_128 : i32
      %sign3A_130 = arith.constant 0 : i32
      %sign3A_131 = arith.cmpi sgt, %jit3A, %sign3A_130 : i32
      %sign3A_132 = arith.extui %sign3A_131 : i1 to i32
      %sign3A_133 = arith.constant 0 : i32
      %sign3A_134 = arith.cmpi slt, %jit3A, %sign3A_133 : i32
      %sign3A_135 = arith.extui %sign3A_134 : i1 to i32
      %sign3A_136 = arith.subi %sign3A_132, %sign3A_135 : i32
      %ne3A = arith.cmpi ne, %sign3A_129, %sign3A_136 : i32
      %rem3A = arith.remsi %add3A_123, %jit3A : i32
      %ne3A_137 = arith.constant 0 : i32
      %ne3A_138 = arith.cmpi ne, %rem3A, %ne3A_137 : i32
      %and3A = arith.andi %ne3A, %ne3A_138 : i1
      %sub3A = arith.constant 1 : i32
      %sub3A_139 = arith.subi %div3A, %sub3A : i32
      %select_n3A = arith.select %and3A, %sub3A_139, %div3A : i32
      %eq3A = arith.constant 0 : i32
      %eq3A_140 = arith.cmpi eq, %jit3A, %eq3A : i32
      %jit3A_141 = arith.constant 1 : i32
      %select_n3A_142 = arith.select %eq3A_140, %jit3A_141, %jit3A : i32
      %rem3A_143 = arith.remsi %add3A_123, %select_n3A_142 : i32
      %ne3A_144 = arith.constant 0 : i32
      %ne3A_145 = arith.cmpi ne, %rem3A_143, %ne3A_144 : i32
      %lt3A = arith.constant 0 : i32
      %lt3A_146 = arith.cmpi slt, %rem3A_143, %lt3A : i32
      %lt3A_147 = arith.constant 0 : i32
      %lt3A_148 = arith.cmpi slt, %select_n3A_142, %lt3A_147 : i32
      %ne3A_149 = arith.xori %lt3A_146, %lt3A_148 : i1
      %and3A_150 = arith.andi %ne3A_149, %ne3A_145 : i1
      %add3A_151 = arith.addi %rem3A_143, %select_n3A_142 : i32
      %select_n3A_152 = arith.select %and3A_150, %add3A_151, %rem3A_143 : i32
      %mul3A_153 = arith.constant 8 : i32
      %mul3A_154 = arith.muli %select_n3A, %mul3A_153 : i32
      %add3A_155 = arith.addi %mul3A_2, %mul3A_154 : i32
      %mul3A_156 = arith.constant 1024 : i32
      %mul3A_157 = arith.muli %select_n3A_152, %mul3A_156 : i32
      %dma_wait3A_158 = tpu.memref_slice %arg3[%add3A_155, %mul3A_157] : memref<8192x4096xf32, #tpu.memory_space<hbm>> -> memref<8x1024xf32, #tpu.memory_space<hbm>>
      %dma_wait3A_159 = tpu.memref_slice %arg3[%add3A_155, %mul3A_157] : memref<8192x4096xf32, #tpu.memory_space<hbm>> -> memref<8x1024xf32, #tpu.memory_space<hbm>>
      tpu.wait_dma2 semaphore(%arg13 : memref<!tpu.dma_semaphore, #tpu.memory_space<semaphore_mem>>) src(%dma_wait3A_159 : memref<8x1024xf32, #tpu.memory_space<hbm>>) dst(%arg7 : memref<8x1024xf32, #tpu.memory_space<vmem>>)
      %dma_wait3A_160 = arith.constant 0 : i32
      %dma_wait3A_161 = tpu.memref_slice %arg2[%dma_wait3A_160, %add3A_155, %mul3A_157] : memref<4x2048x4096xf32, #tpu.memory_space<hbm>> -> memref<4x8x1024xf32, #tpu.memory_space<hbm>>
      %dma_wait3A_162 = arith.constant 0 : i32
      %dma_wait3A_163 = tpu.memref_slice %arg2[%dma_wait3A_162, %add3A_155, %mul3A_157] : memref<4x2048x4096xf32, #tpu.memory_space<hbm>> -> memref<4x8x1024xf32, #tpu.memory_space<hbm>>
      tpu.wait_dma2 semaphore(%arg16 : memref<!tpu.dma_semaphore, #tpu.memory_space<semaphore_mem>>) src(%dma_wait3A_163 : memref<4x8x1024xf32, #tpu.memory_space<hbm>>) dst(%arg10 : memref<4x8x1024xf32, #tpu.memory_space<vmem>>)
      %parallel_loop3A_164 = arith.constant 0 : i32
      %parallel_loop3A_165 = arith.constant 512 : i32
      %parallel_loop3A_166 = arith.constant 1 : i32
      scf.for %parallel_loop3A_591 = %parallel_loop3A_164 to %parallel_loop3A_165 step %parallel_loop3A_166  : i32 {
        %parallel_loop3A_592 = arith.constant 7 : i32
        %parallel_loop3A_593 = arith.andi %parallel_loop3A_591, %parallel_loop3A_592 : i32
        %parallel_loop3A_594 = arith.constant 3 : i32
        %parallel_loop3A_595 = arith.shrsi %parallel_loop3A_591, %parallel_loop3A_594 : i32
        %parallel_loop3A_596 = arith.constant 16 : i32
        %parallel_loop3A_597 = arith.muli %parallel_loop3A_595, %parallel_loop3A_596 : i32
        %parallel_loop3A_598 = arith.index_cast %parallel_loop3A_593 : i32 to index
        %parallel_loop3A_599 = arith.index_cast %parallel_loop3A_597 : i32 to index
        %parallel_loop3A_600 = tpu.vector_load %arg7[%parallel_loop3A_598, %parallel_loop3A_599] {strides = array<i32>} : memref<8x1024xf32, #tpu.memory_space<vmem>>, vector<1x16xf32>,
        %parallel_loop3A_601 = vector.shape_cast %parallel_loop3A_600 : vector<1x16xf32> to vector<16xf32>
        %parallel_loop3A_602 = arith.constant 0 : i32
        %parallel_loop3A_603 = arith.index_cast %parallel_loop3A_602 : i32 to index
        %parallel_loop3A_604 = arith.index_cast %parallel_loop3A_593 : i32 to index
        %parallel_loop3A_605 = arith.index_cast %parallel_loop3A_597 : i32 to index
        %parallel_loop3A_606 = tpu.vector_load %arg10[%parallel_loop3A_603, %parallel_loop3A_604, %parallel_loop3A_605] {strides = array<i32>} : memref<4x8x1024xf32, #tpu.memory_space<vmem>>, vector<1x1x16xf32>,
        %parallel_loop3A_607 = vector.shape_cast %parallel_loop3A_606 : vector<1x1x16xf32> to vector<16xf32>
        %parallel_loop3A_608 = arith.addf %parallel_loop3A_607, %parallel_loop3A_601 : vector<16xf32>
        %parallel_loop3A_609 = arith.constant 0 : i32
        %parallel_loop3A_610 = arith.index_cast %parallel_loop3A_609 : i32 to index
        %parallel_loop3A_611 = arith.index_cast %parallel_loop3A_593 : i32 to index
        %parallel_loop3A_612 = arith.index_cast %parallel_loop3A_597 : i32 to index
        %parallel_loop3A_613 = tpu.vector_load %arg10[%parallel_loop3A_610, %parallel_loop3A_611, %parallel_loop3A_612] {strides = array<i32>} : memref<4x8x1024xf32, #tpu.memory_space<vmem>>, vector<1x1x16xf32>,
        %parallel_loop3A_614 = vector.shape_cast %parallel_loop3A_613 : vector<1x1x16xf32> to vector<16xf32>
        %parallel_loop3A_615 = vector.shape_cast %parallel_loop3A_608 : vector<16xf32> to vector<1x1x16xf32>
        tpu.vector_store %arg10[%parallel_loop3A_610, %parallel_loop3A_611, %parallel_loop3A_612], %parallel_loop3A_615 {strides = array<i32>} : memref<4x8x1024xf32, #tpu.memory_space<vmem>>, vector<1x1x16xf32>,
        %parallel_loop3A_616 = arith.constant 1 : i32
        %parallel_loop3A_617 = arith.index_cast %parallel_loop3A_616 : i32 to index
        %parallel_loop3A_618 = arith.index_cast %parallel_loop3A_593 : i32 to index
        %parallel_loop3A_619 = arith.index_cast %parallel_loop3A_597 : i32 to index
        %parallel_loop3A_620 = tpu.vector_load %arg10[%parallel_loop3A_617, %parallel_loop3A_618, %parallel_loop3A_619] {strides = array<i32>} : memref<4x8x1024xf32, #tpu.memory_space<vmem>>, vector<1x1x16xf32>,
        %parallel_loop3A_621 = vector.shape_cast %parallel_loop3A_620 : vector<1x1x16xf32> to vector<16xf32>
        %parallel_loop3A_622 = arith.addf %parallel_loop3A_621, %parallel_loop3A_601 : vector<16xf32>
        %parallel_loop3A_623 = arith.constant 1 : i32
        %parallel_loop3A_624 = arith.index_cast %parallel_loop3A_623 : i32 to index
        %parallel_loop3A_625 = arith.index_cast %parallel_loop3A_593 : i32 to index
        %parallel_loop3A_626 = arith.index_cast %parallel_loop3A_597 : i32 to index
        %parallel_loop3A_627 = tpu.vector_load %arg10[%parallel_loop3A_624, %parallel_loop3A_625, %parallel_loop3A_626] {strides = array<i32>} : memref<4x8x1024xf32, #tpu.memory_space<vmem>>, vector<1x1x16xf32>,
        %parallel_loop3A_628 = vector.shape_cast %parallel_loop3A_627 : vector<1x1x16xf32> to vector<16xf32>
        %parallel_loop3A_629 = vector.shape_cast %parallel_loop3A_622 : vector<16xf32> to vector<1x1x16xf32>
        tpu.vector_store %arg10[%parallel_loop3A_624, %parallel_loop3A_625, %parallel_loop3A_626], %parallel_loop3A_629 {strides = array<i32>} : memref<4x8x1024xf32, #tpu.memory_space<vmem>>, vector<1x1x16xf32>,
        %parallel_loop3A_630 = arith.constant 2 : i32
        %parallel_loop3A_631 = arith.index_cast %parallel_loop3A_630 : i32 to index
        %parallel_loop3A_632 = arith.index_cast %parallel_loop3A_593 : i32 to index
        %parallel_loop3A_633 = arith.index_cast %parallel_loop3A_597 : i32 to index
        %parallel_loop3A_634 = tpu.vector_load %arg10[%parallel_loop3A_631, %parallel_loop3A_632, %parallel_loop3A_633] {strides = array<i32>} : memref<4x8x1024xf32, #tpu.memory_space<vmem>>, vector<1x1x16xf32>,
        %parallel_loop3A_635 = vector.shape_cast %parallel_loop3A_634 : vector<1x1x16xf32> to vector<16xf32>
        %parallel_loop3A_636 = arith.addf %parallel_loop3A_635, %parallel_loop3A_601 : vector<16xf32>
        %parallel_loop3A_637 = arith.constant 2 : i32
        %parallel_loop3A_638 = arith.index_cast %parallel_loop3A_637 : i32 to index
        %parallel_loop3A_639 = arith.index_cast %parallel_loop3A_593 : i32 to index
        %parallel_loop3A_640 = arith.index_cast %parallel_loop3A_597 : i32 to index
        %parallel_loop3A_641 = tpu.vector_load %arg10[%parallel_loop3A_638, %parallel_loop3A_639, %parallel_loop3A_640] {strides = array<i32>} : memref<4x8x1024xf32, #tpu.memory_space<vmem>>, vector<1x1x16xf32>,
        %parallel_loop3A_642 = vector.shape_cast %parallel_loop3A_641 : vector<1x1x16xf32> to vector<16xf32>
        %parallel_loop3A_643 = vector.shape_cast %parallel_loop3A_636 : vector<16xf32> to vector<1x1x16xf32>
        tpu.vector_store %arg10[%parallel_loop3A_638, %parallel_loop3A_639, %parallel_loop3A_640], %parallel_loop3A_643 {strides = array<i32>} : memref<4x8x1024xf32, #tpu.memory_space<vmem>>, vector<1x1x16xf32>,
        %parallel_loop3A_644 = arith.constant 3 : i32
        %parallel_loop3A_645 = arith.index_cast %parallel_loop3A_644 : i32 to index
        %parallel_loop3A_646 = arith.index_cast %parallel_loop3A_593 : i32 to index
        %parallel_loop3A_647 = arith.index_cast %parallel_loop3A_597 : i32 to index
        %parallel_loop3A_648 = tpu.vector_load %arg10[%parallel_loop3A_645, %parallel_loop3A_646, %parallel_loop3A_647] {strides = array<i32>} : memref<4x8x1024xf32, #tpu.memory_space<vmem>>, vector<1x1x16xf32>,
        %parallel_loop3A_649 = vector.shape_cast %parallel_loop3A_648 : vector<1x1x16xf32> to vector<16xf32>
        %parallel_loop3A_650 = arith.addf %parallel_loop3A_649, %parallel_loop3A_601 : vector<16xf32>
        %parallel_loop3A_651 = arith.constant 3 : i32
        %parallel_loop3A_652 = arith.index_cast %parallel_loop3A_651 : i32 to index
        %parallel_loop3A_653 = arith.index_cast %parallel_loop3A_593 : i32 to index
        %parallel_loop3A_654 = arith.index_cast %parallel_loop3A_597 : i32 to index
        %parallel_loop3A_655 = tpu.vector_load %arg10[%parallel_loop3A_652, %parallel_loop3A_653, %parallel_loop3A_654] {strides = array<i32>} : memref<4x8x1024xf32, #tpu.memory_space<vmem>>, vector<1x1x16xf32>,
        %parallel_loop3A_656 = vector.shape_cast %parallel_loop3A_655 : vector<1x1x16xf32> to vector<16xf32>
        %parallel_loop3A_657 = vector.shape_cast %parallel_loop3A_650 : vector<16xf32> to vector<1x1x16xf32>
        tpu.vector_store %arg10[%parallel_loop3A_652, %parallel_loop3A_653, %parallel_loop3A_654], %parallel_loop3A_657 {strides = array<i32>} : memref<4x8x1024xf32, #tpu.memory_space<vmem>>, vector<1x1x16xf32>,
      } {sc.loop_unroll_factor = 1 : i64, sc.parallel_access}
      %jit3A_167 = arith.constant 4 : i32
      %div3A_168 = arith.divsi %add3A_123, %jit3A_167 : i32
      %sign3A_169 = arith.constant 0 : i32
      %sign3A_170 = arith.cmpi sgt, %add3A_123, %sign3A_169 : i32
      %sign3A_171 = arith.extui %sign3A_170 : i1 to i32
      %sign3A_172 = arith.constant 0 : i32
      %sign3A_173 = arith.cmpi slt, %add3A_123, %sign3A_172 : i32
      %sign3A_174 = arith.extui %sign3A_173 : i1 to i32
      %sign3A_175 = arith.subi %sign3A_171, %sign3A_174 : i32
      %sign3A_176 = arith.constant 0 : i32
      %sign3A_177 = arith.cmpi sgt, %jit3A_167, %sign3A_176 : i32
      %sign3A_178 = arith.extui %sign3A_177 : i1 to i32
      %sign3A_179 = arith.constant 0 : i32
      %sign3A_180 = arith.cmpi slt, %jit3A_167, %sign3A_179 : i32
      %sign3A_181 = arith.extui %sign3A_180 : i1 to i32
      %sign3A_182 = arith.subi %sign3A_178, %sign3A_181 : i32
      %ne3A_183 = arith.cmpi ne, %sign3A_175, %sign3A_182 : i32
      %rem3A_184 = arith.remsi %add3A_123, %jit3A_167 : i32
      %ne3A_185 = arith.constant 0 : i32
      %ne3A_186 = arith.cmpi ne, %rem3A_184, %ne3A_185 : i32
      %and3A_187 = arith.andi %ne3A_183, %ne3A_186 : i1
      %sub3A_188 = arith.constant 1 : i32
      %sub3A_189 = arith.subi %div3A_168, %sub3A_188 : i32
      %select_n3A_190 = arith.select %and3A_187, %sub3A_189, %div3A_168 : i32
      %eq3A_191 = arith.constant 0 : i32
      %eq3A_192 = arith.cmpi eq, %jit3A_167, %eq3A_191 : i32
      %jit3A_193 = arith.constant 1 : i32
      %select_n3A_194 = arith.select %eq3A_192, %jit3A_193, %jit3A_167 : i32
      %rem3A_195 = arith.remsi %add3A_123, %select_n3A_194 : i32
      %ne3A_196 = arith.constant 0 : i32
      %ne3A_197 = arith.cmpi ne, %rem3A_195, %ne3A_196 : i32
      %lt3A_198 = arith.constant 0 : i32
      %lt3A_199 = arith.cmpi slt, %rem3A_195, %lt3A_198 : i32
      %lt3A_200 = arith.constant 0 : i32
      %lt3A_201 = arith.cmpi slt, %select_n3A_194, %lt3A_200 : i32
      %ne3A_202 = arith.xori %lt3A_199, %lt3A_201 : i1
      %and3A_203 = arith.andi %ne3A_202, %ne3A_197 : i1
      %add3A_204 = arith.addi %rem3A_195, %select_n3A_194 : i32
      %select_n3A_205 = arith.select %and3A_203, %add3A_204, %rem3A_195 : i32
      %mul3A_206 = arith.constant 8 : i32
      %mul3A_207 = arith.muli %select_n3A_190, %mul3A_206 : i32
      %add3A_208 = arith.addi %mul3A_2, %mul3A_207 : i32
      %mul3A_209 = arith.constant 1024 : i32
      %mul3A_210 = arith.muli %select_n3A_205, %mul3A_209 : i32
      %dma_start3A_211 = arith.constant 0 : i32
      %dma_start3A_212 = tpu.memref_slice %arg4[%dma_start3A_211, %add3A_208, %mul3A_210] : memref<4x2048x4096xf32, #tpu.memory_space<hbm>> -> memref<4x8x1024xf32, #tpu.memory_space<hbm>>
      %dma_start3A_213 = arith.constant 0 : i32
      %dma_start3A_214 = tpu.memref_slice %arg4[%dma_start3A_213, %add3A_208, %mul3A_210] : memref<4x2048x4096xf32, #tpu.memory_space<hbm>> -> memref<4x8x1024xf32, #tpu.memory_space<hbm>>
      tpu.enqueue_dma source(%arg10 : memref<4x8x1024xf32, #tpu.memory_space<vmem>>) target(%dma_start3A_214 : memref<4x8x1024xf32, #tpu.memory_space<hbm>>) target_semaphore(%arg19 : memref<!tpu.dma_semaphore, #tpu.memory_space<semaphore_mem>>)
      %sub3A_215 = arith.constant 1 : i32
      %sub3A_216 = arith.subi %add3A_123, %sub3A_215 : i32
      %jit3A_217 = arith.constant 4 : i32
      %div3A_218 = arith.divsi %sub3A_216, %jit3A_217 : i32
      %sign3A_219 = arith.constant 0 : i32
      %sign3A_220 = arith.cmpi sgt, %sub3A_216, %sign3A_219 : i32
      %sign3A_221 = arith.extui %sign3A_220 : i1 to i32
      %sign3A_222 = arith.constant 0 : i32
      %sign3A_223 = arith.cmpi slt, %sub3A_216, %sign3A_222 : i32
      %sign3A_224 = arith.extui %sign3A_223 : i1 to i32
      %sign3A_225 = arith.subi %sign3A_221, %sign3A_224 : i32
      %sign3A_226 = arith.constant 0 : i32
      %sign3A_227 = arith.cmpi sgt, %jit3A_217, %sign3A_226 : i32
      %sign3A_228 = arith.extui %sign3A_227 : i1 to i32
      %sign3A_229 = arith.constant 0 : i32
      %sign3A_230 = arith.cmpi slt, %jit3A_217, %sign3A_229 : i32
      %sign3A_231 = arith.extui %sign3A_230 : i1 to i32
      %sign3A_232 = arith.subi %sign3A_228, %sign3A_231 : i32
      %ne3A_233 = arith.cmpi ne, %sign3A_225, %sign3A_232 : i32
      %rem3A_234 = arith.remsi %sub3A_216, %jit3A_217 : i32
      %ne3A_235 = arith.constant 0 : i32
      %ne3A_236 = arith.cmpi ne, %rem3A_234, %ne3A_235 : i32
      %and3A_237 = arith.andi %ne3A_233, %ne3A_236 : i1
      %sub3A_238 = arith.constant 1 : i32
      %sub3A_239 = arith.subi %div3A_218, %sub3A_238 : i32
      %select_n3A_240 = arith.select %and3A_237, %sub3A_239, %div3A_218 : i32
      %eq3A_241 = arith.constant 0 : i32
      %eq3A_242 = arith.cmpi eq, %jit3A_217, %eq3A_241 : i32
      %jit3A_243 = arith.constant 1 : i32
      %select_n3A_244 = arith.select %eq3A_242, %jit3A_243, %jit3A_217 : i32
      %rem3A_245 = arith.remsi %sub3A_216, %select_n3A_244 : i32
      %ne3A_246 = arith.constant 0 : i32
      %ne3A_247 = arith.cmpi ne, %rem3A_245, %ne3A_246 : i32
      %lt3A_248 = arith.constant 0 : i32
      %lt3A_249 = arith.cmpi slt, %rem3A_245, %lt3A_248 : i32
      %lt3A_250 = arith.constant 0 : i32
      %lt3A_251 = arith.cmpi slt, %select_n3A_244, %lt3A_250 : i32
      %ne3A_252 = arith.xori %lt3A_249, %lt3A_251 : i1
      %and3A_253 = arith.andi %ne3A_252, %ne3A_247 : i1
      %add3A_254 = arith.addi %rem3A_245, %select_n3A_244 : i32
      %select_n3A_255 = arith.select %and3A_253, %add3A_254, %rem3A_245 : i32
      %mul3A_256 = arith.constant 8 : i32
      %mul3A_257 = arith.muli %select_n3A_240, %mul3A_256 : i32
      %add3A_258 = arith.addi %mul3A_2, %mul3A_257 : i32
      %mul3A_259 = arith.constant 1024 : i32
      %mul3A_260 = arith.muli %select_n3A_255, %mul3A_259 : i32
      %dma_wait3A_261 = arith.constant 0 : i32
      %dma_wait3A_262 = tpu.memref_slice %arg4[%dma_wait3A_261, %add3A_258, %mul3A_260] : memref<4x2048x4096xf32, #tpu.memory_space<hbm>> -> memref<4x8x1024xf32, #tpu.memory_space<hbm>>
      %dma_wait3A_263 = arith.constant 0 : i32
      %dma_wait3A_264 = tpu.memref_slice %arg4[%dma_wait3A_263, %add3A_258, %mul3A_260] : memref<4x2048x4096xf32, #tpu.memory_space<hbm>> -> memref<4x8x1024xf32, #tpu.memory_space<hbm>>
      tpu.wait_dma2 semaphore(%arg18 : memref<!tpu.dma_semaphore, #tpu.memory_space<semaphore_mem>>) src(%arg9 : memref<4x8x1024xf32, #tpu.memory_space<vmem>>) dst(%dma_wait3A_264 : memref<4x8x1024xf32, #tpu.memory_space<hbm>>)
      %add3A_265 = arith.constant 2 : i32
      %add3A_266 = arith.addi %add3A_123, %add3A_265 : i32
      %lt3A_267 = arith.constant 32 : i32
      %lt3A_268 = arith.cmpi slt, %add3A_266, %lt3A_267 : i32
      %convert_element_type3A = arith.extui %lt3A_268 : i1 to i32
      %cond3A = arith.constant 0 : i32
      %cond3A_269 = arith.cmpi ne, %convert_element_type3A, %cond3A : i32
      scf.if %cond3A_269 {
        %add3A_591 = arith.constant 2 : i32
        %add3A_592 = arith.addi %add3A_123, %add3A_591 : i32
        %jit3A_593 = arith.constant 4 : i32
        %div3A_594 = arith.divsi %add3A_592, %jit3A_593 : i32
        %sign3A_595 = arith.constant 0 : i32
        %sign3A_596 = arith.cmpi sgt, %add3A_592, %sign3A_595 : i32
        %sign3A_597 = arith.extui %sign3A_596 : i1 to i32
        %sign3A_598 = arith.constant 0 : i32
        %sign3A_599 = arith.cmpi slt, %add3A_592, %sign3A_598 : i32
        %sign3A_600 = arith.extui %sign3A_599 : i1 to i32
        %sign3A_601 = arith.subi %sign3A_597, %sign3A_600 : i32
        %sign3A_602 = arith.constant 0 : i32
        %sign3A_603 = arith.cmpi sgt, %jit3A_593, %sign3A_602 : i32
        %sign3A_604 = arith.extui %sign3A_603 : i1 to i32
        %sign3A_605 = arith.constant 0 : i32
        %sign3A_606 = arith.cmpi slt, %jit3A_593, %sign3A_605 : i32
        %sign3A_607 = arith.extui %sign3A_606 : i1 to i32
        %sign3A_608 = arith.subi %sign3A_604, %sign3A_607 : i32
        %ne3A_609 = arith.cmpi ne, %sign3A_601, %sign3A_608 : i32
        %rem3A_610 = arith.remsi %add3A_592, %jit3A_593 : i32
        %ne3A_611 = arith.constant 0 : i32
        %ne3A_612 = arith.cmpi ne, %rem3A_610, %ne3A_611 : i32
        %and3A_613 = arith.andi %ne3A_609, %ne3A_612 : i1
        %sub3A_614 = arith.constant 1 : i32
        %sub3A_615 = arith.subi %div3A_594, %sub3A_614 : i32
        %select_n3A_616 = arith.select %and3A_613, %sub3A_615, %div3A_594 : i32
        %eq3A_617 = arith.constant 0 : i32
        %eq3A_618 = arith.cmpi eq, %jit3A_593, %eq3A_617 : i32
        %jit3A_619 = arith.constant 1 : i32
        %select_n3A_620 = arith.select %eq3A_618, %jit3A_619, %jit3A_593 : i32
        %rem3A_621 = arith.remsi %add3A_592, %select_n3A_620 : i32
        %ne3A_622 = arith.constant 0 : i32
        %ne3A_623 = arith.cmpi ne, %rem3A_621, %ne3A_622 : i32
        %lt3A_624 = arith.constant 0 : i32
        %lt3A_625 = arith.cmpi slt, %rem3A_621, %lt3A_624 : i32
        %lt3A_626 = arith.constant 0 : i32
        %lt3A_627 = arith.cmpi slt, %select_n3A_620, %lt3A_626 : i32
        %ne3A_628 = arith.xori %lt3A_625, %lt3A_627 : i1
        %and3A_629 = arith.andi %ne3A_628, %ne3A_623 : i1
        %add3A_630 = arith.addi %rem3A_621, %select_n3A_620 : i32
        %select_n3A_631 = arith.select %and3A_629, %add3A_630, %rem3A_621 : i32
        %mul3A_632 = arith.constant 8 : i32
        %mul3A_633 = arith.muli %select_n3A_616, %mul3A_632 : i32
        %add3A_634 = arith.addi %mul3A_2, %mul3A_633 : i32
        %mul3A_635 = arith.constant 1024 : i32
        %mul3A_636 = arith.muli %select_n3A_631, %mul3A_635 : i32
        %dma_start3A_637 = tpu.memref_slice %arg3[%add3A_634, %mul3A_636] : memref<8192x4096xf32, #tpu.memory_space<hbm>> -> memref<8x1024xf32, #tpu.memory_space<hbm>>
        %dma_start3A_638 = tpu.memref_slice %arg3[%add3A_634, %mul3A_636] : memref<8192x4096xf32, #tpu.memory_space<hbm>> -> memref<8x1024xf32, #tpu.memory_space<hbm>>
        tpu.enqueue_dma source(%dma_start3A_638 : memref<8x1024xf32, #tpu.memory_space<hbm>>) target(%arg6 : memref<8x1024xf32, #tpu.memory_space<vmem>>) target_semaphore(%arg12 : memref<!tpu.dma_semaphore, #tpu.memory_space<semaphore_mem>>)
        %dma_start3A_639 = arith.constant 0 : i32
        %dma_start3A_640 = tpu.memref_slice %arg2[%dma_start3A_639, %add3A_634, %mul3A_636] : memref<4x2048x4096xf32, #tpu.memory_space<hbm>> -> memref<4x8x1024xf32, #tpu.memory_space<hbm>>
        %dma_start3A_641 = arith.constant 0 : i32
        %dma_start3A_642 = tpu.memref_slice %arg2[%dma_start3A_641, %add3A_634, %mul3A_636] : memref<4x2048x4096xf32, #tpu.memory_space<hbm>> -> memref<4x8x1024xf32, #tpu.memory_space<hbm>>
        tpu.enqueue_dma source(%dma_start3A_642 : memref<4x8x1024xf32, #tpu.memory_space<hbm>>) target(%arg9 : memref<4x8x1024xf32, #tpu.memory_space<vmem>>) target_semaphore(%arg15 : memref<!tpu.dma_semaphore, #tpu.memory_space<semaphore_mem>>)
      } else {
      }
      %add3A_270 = arith.constant 1 : i32
      %add3A_271 = arith.addi %add3A_121, %add3A_270 : i32
      %jit3A_272 = arith.constant 4 : i32
      %div3A_273 = arith.divsi %add3A_271, %jit3A_272 : i32
      %sign3A_274 = arith.constant 0 : i32
      %sign3A_275 = arith.cmpi sgt, %add3A_271, %sign3A_274 : i32
      %sign3A_276 = arith.extui %sign3A_275 : i1 to i32
      %sign3A_277 = arith.constant 0 : i32
      %sign3A_278 = arith.cmpi slt, %add3A_271, %sign3A_277 : i32
      %sign3A_279 = arith.extui %sign3A_278 : i1 to i32
      %sign3A_280 = arith.subi %sign3A_276, %sign3A_279 : i32
      %sign3A_281 = arith.constant 0 : i32
      %sign3A_282 = arith.cmpi sgt, %jit3A_272, %sign3A_281 : i32
      %sign3A_283 = arith.extui %sign3A_282 : i1 to i32
      %sign3A_284 = arith.constant 0 : i32
      %sign3A_285 = arith.cmpi slt, %jit3A_272, %sign3A_284 : i32
      %sign3A_286 = arith.extui %sign3A_285 : i1 to i32
      %sign3A_287 = arith.subi %sign3A_283, %sign3A_286 : i32
      %ne3A_288 = arith.cmpi ne, %sign3A_280, %sign3A_287 : i32
      %rem3A_289 = arith.remsi %add3A_271, %jit3A_272 : i32
      %ne3A_290 = arith.constant 0 : i32
      %ne3A_291 = arith.cmpi ne, %rem3A_289, %ne3A_290 : i32
      %and3A_292 = arith.andi %ne3A_288, %ne3A_291 : i1
      %sub3A_293 = arith.constant 1 : i32
      %sub3A_294 = arith.subi %div3A_273, %sub3A_293 : i32
      %select_n3A_295 = arith.select %and3A_292, %sub3A_294, %div3A_273 : i32
      %eq3A_296 = arith.constant 0 : i32
      %eq3A_297 = arith.cmpi eq, %jit3A_272, %eq3A_296 : i32
      %jit3A_298 = arith.constant 1 : i32
      %select_n3A_299 = arith.select %eq3A_297, %jit3A_298, %jit3A_272 : i32
      %rem3A_300 = arith.remsi %add3A_271, %select_n3A_299 : i32
      %ne3A_301 = arith.constant 0 : i32
      %ne3A_302 = arith.cmpi ne, %rem3A_300, %ne3A_301 : i32
      %lt3A_303 = arith.constant 0 : i32
      %lt3A_304 = arith.cmpi slt, %rem3A_300, %lt3A_303 : i32
      %lt3A_305 = arith.constant 0 : i32
      %lt3A_306 = arith.cmpi slt, %select_n3A_299, %lt3A_305 : i32
      %ne3A_307 = arith.xori %lt3A_304, %lt3A_306 : i1
      %and3A_308 = arith.andi %ne3A_307, %ne3A_302 : i1
      %add3A_309 = arith.addi %rem3A_300, %select_n3A_299 : i32
      %select_n3A_310 = arith.select %and3A_308, %add3A_309, %rem3A_300 : i32
      %mul3A_311 = arith.constant 8 : i32
      %mul3A_312 = arith.muli %select_n3A_295, %mul3A_311 : i32
      %add3A_313 = arith.addi %mul3A_2, %mul3A_312 : i32
      %mul3A_314 = arith.constant 1024 : i32
      %mul3A_315 = arith.muli %select_n3A_310, %mul3A_314 : i32
      %dma_wait3A_316 = tpu.memref_slice %arg3[%add3A_313, %mul3A_315] : memref<8192x4096xf32, #tpu.memory_space<hbm>> -> memref<8x1024xf32, #tpu.memory_space<hbm>>
      %dma_wait3A_317 = tpu.memref_slice %arg3[%add3A_313, %mul3A_315] : memref<8192x4096xf32, #tpu.memory_space<hbm>> -> memref<8x1024xf32, #tpu.memory_space<hbm>>
      tpu.wait_dma2 semaphore(%arg11 : memref<!tpu.dma_semaphore, #tpu.memory_space<semaphore_mem>>) src(%dma_wait3A_317 : memref<8x1024xf32, #tpu.memory_space<hbm>>) dst(%arg5 : memref<8x1024xf32, #tpu.memory_space<vmem>>)
      %dma_wait3A_318 = arith.constant 0 : i32
      %dma_wait3A_319 = tpu.memref_slice %arg2[%dma_wait3A_318, %add3A_313, %mul3A_315] : memref<4x2048x4096xf32, #tpu.memory_space<hbm>> -> memref<4x8x1024xf32, #tpu.memory_space<hbm>>
      %dma_wait3A_320 = arith.constant 0 : i32
      %dma_wait3A_321 = tpu.memref_slice %arg2[%dma_wait3A_320, %add3A_313, %mul3A_315] : memref<4x2048x4096xf32, #tpu.memory_space<hbm>> -> memref<4x8x1024xf32, #tpu.memory_space<hbm>>
      tpu.wait_dma2 semaphore(%arg14 : memref<!tpu.dma_semaphore, #tpu.memory_space<semaphore_mem>>) src(%dma_wait3A_321 : memref<4x8x1024xf32, #tpu.memory_space<hbm>>) dst(%arg8 : memref<4x8x1024xf32, #tpu.memory_space<vmem>>)
      %parallel_loop3A_322 = arith.constant 0 : i32
      %parallel_loop3A_323 = arith.constant 512 : i32
      %parallel_loop3A_324 = arith.constant 1 : i32
      scf.for %parallel_loop3A_591 = %parallel_loop3A_322 to %parallel_loop3A_323 step %parallel_loop3A_324  : i32 {
        %parallel_loop3A_592 = arith.constant 7 : i32
        %parallel_loop3A_593 = arith.andi %parallel_loop3A_591, %parallel_loop3A_592 : i32
        %parallel_loop3A_594 = arith.constant 3 : i32
        %parallel_loop3A_595 = arith.shrsi %parallel_loop3A_591, %parallel_loop3A_594 : i32
        %parallel_loop3A_596 = arith.constant 16 : i32
        %parallel_loop3A_597 = arith.muli %parallel_loop3A_595, %parallel_loop3A_596 : i32
        %parallel_loop3A_598 = arith.index_cast %parallel_loop3A_593 : i32 to index
        %parallel_loop3A_599 = arith.index_cast %parallel_loop3A_597 : i32 to index
        %parallel_loop3A_600 = tpu.vector_load %arg5[%parallel_loop3A_598, %parallel_loop3A_599] {strides = array<i32>} : memref<8x1024xf32, #tpu.memory_space<vmem>>, vector<1x16xf32>,
        %parallel_loop3A_601 = vector.shape_cast %parallel_loop3A_600 : vector<1x16xf32> to vector<16xf32>
        %parallel_loop3A_602 = arith.constant 0 : i32
        %parallel_loop3A_603 = arith.index_cast %parallel_loop3A_602 : i32 to index
        %parallel_loop3A_604 = arith.index_cast %parallel_loop3A_593 : i32 to index
        %parallel_loop3A_605 = arith.index_cast %parallel_loop3A_597 : i32 to index
        %parallel_loop3A_606 = tpu.vector_load %arg8[%parallel_loop3A_603, %parallel_loop3A_604, %parallel_loop3A_605] {strides = array<i32>} : memref<4x8x1024xf32, #tpu.memory_space<vmem>>, vector<1x1x16xf32>,
        %parallel_loop3A_607 = vector.shape_cast %parallel_loop3A_606 : vector<1x1x16xf32> to vector<16xf32>
        %parallel_loop3A_608 = arith.addf %parallel_loop3A_607, %parallel_loop3A_601 : vector<16xf32>
        %parallel_loop3A_609 = arith.constant 0 : i32
        %parallel_loop3A_610 = arith.index_cast %parallel_loop3A_609 : i32 to index
        %parallel_loop3A_611 = arith.index_cast %parallel_loop3A_593 : i32 to index
        %parallel_loop3A_612 = arith.index_cast %parallel_loop3A_597 : i32 to index
        %parallel_loop3A_613 = tpu.vector_load %arg8[%parallel_loop3A_610, %parallel_loop3A_611, %parallel_loop3A_612] {strides = array<i32>} : memref<4x8x1024xf32, #tpu.memory_space<vmem>>, vector<1x1x16xf32>,
        %parallel_loop3A_614 = vector.shape_cast %parallel_loop3A_613 : vector<1x1x16xf32> to vector<16xf32>
        %parallel_loop3A_615 = vector.shape_cast %parallel_loop3A_608 : vector<16xf32> to vector<1x1x16xf32>
        tpu.vector_store %arg8[%parallel_loop3A_610, %parallel_loop3A_611, %parallel_loop3A_612], %parallel_loop3A_615 {strides = array<i32>} : memref<4x8x1024xf32, #tpu.memory_space<vmem>>, vector<1x1x16xf32>,
        %parallel_loop3A_616 = arith.constant 1 : i32
        %parallel_loop3A_617 = arith.index_cast %parallel_loop3A_616 : i32 to index
        %parallel_loop3A_618 = arith.index_cast %parallel_loop3A_593 : i32 to index
        %parallel_loop3A_619 = arith.index_cast %parallel_loop3A_597 : i32 to index
        %parallel_loop3A_620 = tpu.vector_load %arg8[%parallel_loop3A_617, %parallel_loop3A_618, %parallel_loop3A_619] {strides = array<i32>} : memref<4x8x1024xf32, #tpu.memory_space<vmem>>, vector<1x1x16xf32>,
        %parallel_loop3A_621 = vector.shape_cast %parallel_loop3A_620 : vector<1x1x16xf32> to vector<16xf32>
        %parallel_loop3A_622 = arith.addf %parallel_loop3A_621, %parallel_loop3A_601 : vector<16xf32>
        %parallel_loop3A_623 = arith.constant 1 : i32
        %parallel_loop3A_624 = arith.index_cast %parallel_loop3A_623 : i32 to index
        %parallel_loop3A_625 = arith.index_cast %parallel_loop3A_593 : i32 to index
        %parallel_loop3A_626 = arith.index_cast %parallel_loop3A_597 : i32 to index
        %parallel_loop3A_627 = tpu.vector_load %arg8[%parallel_loop3A_624, %parallel_loop3A_625, %parallel_loop3A_626] {strides = array<i32>} : memref<4x8x1024xf32, #tpu.memory_space<vmem>>, vector<1x1x16xf32>,
        %parallel_loop3A_628 = vector.shape_cast %parallel_loop3A_627 : vector<1x1x16xf32> to vector<16xf32>
        %parallel_loop3A_629 = vector.shape_cast %parallel_loop3A_622 : vector<16xf32> to vector<1x1x16xf32>
        tpu.vector_store %arg8[%parallel_loop3A_624, %parallel_loop3A_625, %parallel_loop3A_626], %parallel_loop3A_629 {strides = array<i32>} : memref<4x8x1024xf32, #tpu.memory_space<vmem>>, vector<1x1x16xf32>,
        %parallel_loop3A_630 = arith.constant 2 : i32
        %parallel_loop3A_631 = arith.index_cast %parallel_loop3A_630 : i32 to index
        %parallel_loop3A_632 = arith.index_cast %parallel_loop3A_593 : i32 to index
        %parallel_loop3A_633 = arith.index_cast %parallel_loop3A_597 : i32 to index
        %parallel_loop3A_634 = tpu.vector_load %arg8[%parallel_loop3A_631, %parallel_loop3A_632, %parallel_loop3A_633] {strides = array<i32>} : memref<4x8x1024xf32, #tpu.memory_space<vmem>>, vector<1x1x16xf32>,
        %parallel_loop3A_635 = vector.shape_cast %parallel_loop3A_634 : vector<1x1x16xf32> to vector<16xf32>
        %parallel_loop3A_636 = arith.addf %parallel_loop3A_635, %parallel_loop3A_601 : vector<16xf32>
        %parallel_loop3A_637 = arith.constant 2 : i32
        %parallel_loop3A_638 = arith.index_cast %parallel_loop3A_637 : i32 to index
        %parallel_loop3A_639 = arith.index_cast %parallel_loop3A_593 : i32 to index
        %parallel_loop3A_640 = arith.index_cast %parallel_loop3A_597 : i32 to index
        %parallel_loop3A_641 = tpu.vector_load %arg8[%parallel_loop3A_638, %parallel_loop3A_639, %parallel_loop3A_640] {strides = array<i32>} : memref<4x8x1024xf32, #tpu.memory_space<vmem>>, vector<1x1x16xf32>,
        %parallel_loop3A_642 = vector.shape_cast %parallel_loop3A_641 : vector<1x1x16xf32> to vector<16xf32>
        %parallel_loop3A_643 = vector.shape_cast %parallel_loop3A_636 : vector<16xf32> to vector<1x1x16xf32>
        tpu.vector_store %arg8[%parallel_loop3A_638, %parallel_loop3A_639, %parallel_loop3A_640], %parallel_loop3A_643 {strides = array<i32>} : memref<4x8x1024xf32, #tpu.memory_space<vmem>>, vector<1x1x16xf32>,
        %parallel_loop3A_644 = arith.constant 3 : i32
        %parallel_loop3A_645 = arith.index_cast %parallel_loop3A_644 : i32 to index
        %parallel_loop3A_646 = arith.index_cast %parallel_loop3A_593 : i32 to index
        %parallel_loop3A_647 = arith.index_cast %parallel_loop3A_597 : i32 to index
        %parallel_loop3A_648 = tpu.vector_load %arg8[%parallel_loop3A_645, %parallel_loop3A_646, %parallel_loop3A_647] {strides = array<i32>} : memref<4x8x1024xf32, #tpu.memory_space<vmem>>, vector<1x1x16xf32>,
        %parallel_loop3A_649 = vector.shape_cast %parallel_loop3A_648 : vector<1x1x16xf32> to vector<16xf32>
        %parallel_loop3A_650 = arith.addf %parallel_loop3A_649, %parallel_loop3A_601 : vector<16xf32>
        %parallel_loop3A_651 = arith.constant 3 : i32
        %parallel_loop3A_652 = arith.index_cast %parallel_loop3A_651 : i32 to index
        %parallel_loop3A_653 = arith.index_cast %parallel_loop3A_593 : i32 to index
        %parallel_loop3A_654 = arith.index_cast %parallel_loop3A_597 : i32 to index
        %parallel_loop3A_655 = tpu.vector_load %arg8[%parallel_loop3A_652, %parallel_loop3A_653, %parallel_loop3A_654] {strides = array<i32>} : memref<4x8x1024xf32, #tpu.memory_space<vmem>>, vector<1x1x16xf32>,
        %parallel_loop3A_656 = vector.shape_cast %parallel_loop3A_655 : vector<1x1x16xf32> to vector<16xf32>
        %parallel_loop3A_657 = vector.shape_cast %parallel_loop3A_650 : vector<16xf32> to vector<1x1x16xf32>
        tpu.vector_store %arg8[%parallel_loop3A_652, %parallel_loop3A_653, %parallel_loop3A_654], %parallel_loop3A_657 {strides = array<i32>} : memref<4x8x1024xf32, #tpu.memory_space<vmem>>, vector<1x1x16xf32>,
      } {sc.loop_unroll_factor = 1 : i64, sc.parallel_access}
      %jit3A_325 = arith.constant 4 : i32
      %div3A_326 = arith.divsi %add3A_271, %jit3A_325 : i32
      %sign3A_327 = arith.constant 0 : i32
      %sign3A_328 = arith.cmpi sgt, %add3A_271, %sign3A_327 : i32
      %sign3A_329 = arith.extui %sign3A_328 : i1 to i32
      %sign3A_330 = arith.constant 0 : i32
      %sign3A_331 = arith.cmpi slt, %add3A_271, %sign3A_330 : i32
      %sign3A_332 = arith.extui %sign3A_331 : i1 to i32
      %sign3A_333 = arith.subi %sign3A_329, %sign3A_332 : i32
      %sign3A_334 = arith.constant 0 : i32
      %sign3A_335 = arith.cmpi sgt, %jit3A_325, %sign3A_334 : i32
      %sign3A_336 = arith.extui %sign3A_335 : i1 to i32
      %sign3A_337 = arith.constant 0 : i32
      %sign3A_338 = arith.cmpi slt, %jit3A_325, %sign3A_337 : i32
      %sign3A_339 = arith.extui %sign3A_338 : i1 to i32
      %sign3A_340 = arith.subi %sign3A_336, %sign3A_339 : i32
      %ne3A_341 = arith.cmpi ne, %sign3A_333, %sign3A_340 : i32
      %rem3A_342 = arith.remsi %add3A_271, %jit3A_325 : i32
      %ne3A_343 = arith.constant 0 : i32
      %ne3A_344 = arith.cmpi ne, %rem3A_342, %ne3A_343 : i32
      %and3A_345 = arith.andi %ne3A_341, %ne3A_344 : i1
      %sub3A_346 = arith.constant 1 : i32
      %sub3A_347 = arith.subi %div3A_326, %sub3A_346 : i32
      %select_n3A_348 = arith.select %and3A_345, %sub3A_347, %div3A_326 : i32
      %eq3A_349 = arith.constant 0 : i32
      %eq3A_350 = arith.cmpi eq, %jit3A_325, %eq3A_349 : i32
      %jit3A_351 = arith.constant 1 : i32
      %select_n3A_352 = arith.select %eq3A_350, %jit3A_351, %jit3A_325 : i32
      %rem3A_353 = arith.remsi %add3A_271, %select_n3A_352 : i32
      %ne3A_354 = arith.constant 0 : i32
      %ne3A_355 = arith.cmpi ne, %rem3A_353, %ne3A_354 : i32
      %lt3A_356 = arith.constant 0 : i32
      %lt3A_357 = arith.cmpi slt, %rem3A_353, %lt3A_356 : i32
      %lt3A_358 = arith.constant 0 : i32
      %lt3A_359 = arith.cmpi slt, %select_n3A_352, %lt3A_358 : i32
      %ne3A_360 = arith.xori %lt3A_357, %lt3A_359 : i1
      %and3A_361 = arith.andi %ne3A_360, %ne3A_355 : i1
      %add3A_362 = arith.addi %rem3A_353, %select_n3A_352 : i32
      %select_n3A_363 = arith.select %and3A_361, %add3A_362, %rem3A_353 : i32
      %mul3A_364 = arith.constant 8 : i32
      %mul3A_365 = arith.muli %select_n3A_348, %mul3A_364 : i32
      %add3A_366 = arith.addi %mul3A_2, %mul3A_365 : i32
      %mul3A_367 = arith.constant 1024 : i32
      %mul3A_368 = arith.muli %select_n3A_363, %mul3A_367 : i32
      %dma_start3A_369 = arith.constant 0 : i32
      %dma_start3A_370 = tpu.memref_slice %arg4[%dma_start3A_369, %add3A_366, %mul3A_368] : memref<4x2048x4096xf32, #tpu.memory_space<hbm>> -> memref<4x8x1024xf32, #tpu.memory_space<hbm>>
      %dma_start3A_371 = arith.constant 0 : i32
      %dma_start3A_372 = tpu.memref_slice %arg4[%dma_start3A_371, %add3A_366, %mul3A_368] : memref<4x2048x4096xf32, #tpu.memory_space<hbm>> -> memref<4x8x1024xf32, #tpu.memory_space<hbm>>
      tpu.enqueue_dma source(%arg8 : memref<4x8x1024xf32, #tpu.memory_space<vmem>>) target(%dma_start3A_372 : memref<4x8x1024xf32, #tpu.memory_space<hbm>>) target_semaphore(%arg17 : memref<!tpu.dma_semaphore, #tpu.memory_space<semaphore_mem>>)
      %sub3A_373 = arith.constant 1 : i32
      %sub3A_374 = arith.subi %add3A_271, %sub3A_373 : i32
      %jit3A_375 = arith.constant 4 : i32
      %div3A_376 = arith.divsi %sub3A_374, %jit3A_375 : i32
      %sign3A_377 = arith.constant 0 : i32
      %sign3A_378 = arith.cmpi sgt, %sub3A_374, %sign3A_377 : i32
      %sign3A_379 = arith.extui %sign3A_378 : i1 to i32
      %sign3A_380 = arith.constant 0 : i32
      %sign3A_381 = arith.cmpi slt, %sub3A_374, %sign3A_380 : i32
      %sign3A_382 = arith.extui %sign3A_381 : i1 to i32
      %sign3A_383 = arith.subi %sign3A_379, %sign3A_382 : i32
      %sign3A_384 = arith.constant 0 : i32
      %sign3A_385 = arith.cmpi sgt, %jit3A_375, %sign3A_384 : i32
      %sign3A_386 = arith.extui %sign3A_385 : i1 to i32
      %sign3A_387 = arith.constant 0 : i32
      %sign3A_388 = arith.cmpi slt, %jit3A_375, %sign3A_387 : i32
      %sign3A_389 = arith.extui %sign3A_388 : i1 to i32
      %sign3A_390 = arith.subi %sign3A_386, %sign3A_389 : i32
      %ne3A_391 = arith.cmpi ne, %sign3A_383, %sign3A_390 : i32
      %rem3A_392 = arith.remsi %sub3A_374, %jit3A_375 : i32
      %ne3A_393 = arith.constant 0 : i32
      %ne3A_394 = arith.cmpi ne, %rem3A_392, %ne3A_393 : i32
      %and3A_395 = arith.andi %ne3A_391, %ne3A_394 : i1
      %sub3A_396 = arith.constant 1 : i32
      %sub3A_397 = arith.subi %div3A_376, %sub3A_396 : i32
      %select_n3A_398 = arith.select %and3A_395, %sub3A_397, %div3A_376 : i32
      %eq3A_399 = arith.constant 0 : i32
      %eq3A_400 = arith.cmpi eq, %jit3A_375, %eq3A_399 : i32
      %jit3A_401 = arith.constant 1 : i32
      %select_n3A_402 = arith.select %eq3A_400, %jit3A_401, %jit3A_375 : i32
      %rem3A_403 = arith.remsi %sub3A_374, %select_n3A_402 : i32
      %ne3A_404 = arith.constant 0 : i32
      %ne3A_405 = arith.cmpi ne, %rem3A_403, %ne3A_404 : i32
      %lt3A_406 = arith.constant 0 : i32
      %lt3A_407 = arith.cmpi slt, %rem3A_403, %lt3A_406 : i32
      %lt3A_408 = arith.constant 0 : i32
      %lt3A_409 = arith.cmpi slt, %select_n3A_402, %lt3A_408 : i32
      %ne3A_410 = arith.xori %lt3A_407, %lt3A_409 : i1
      %and3A_411 = arith.andi %ne3A_410, %ne3A_405 : i1
      %add3A_412 = arith.addi %rem3A_403, %select_n3A_402 : i32
      %select_n3A_413 = arith.select %and3A_411, %add3A_412, %rem3A_403 : i32
      %mul3A_414 = arith.constant 8 : i32
      %mul3A_415 = arith.muli %select_n3A_398, %mul3A_414 : i32
      %add3A_416 = arith.addi %mul3A_2, %mul3A_415 : i32
      %mul3A_417 = arith.constant 1024 : i32
      %mul3A_418 = arith.muli %select_n3A_413, %mul3A_417 : i32
      %dma_wait3A_419 = arith.constant 0 : i32
      %dma_wait3A_420 = tpu.memref_slice %arg4[%dma_wait3A_419, %add3A_416, %mul3A_418] : memref<4x2048x4096xf32, #tpu.memory_space<hbm>> -> memref<4x8x1024xf32, #tpu.memory_space<hbm>>
      %dma_wait3A_421 = arith.constant 0 : i32
      %dma_wait3A_422 = tpu.memref_slice %arg4[%dma_wait3A_421, %add3A_416, %mul3A_418] : memref<4x2048x4096xf32, #tpu.memory_space<hbm>> -> memref<4x8x1024xf32, #tpu.memory_space<hbm>>
      tpu.wait_dma2 semaphore(%arg19 : memref<!tpu.dma_semaphore, #tpu.memory_space<semaphore_mem>>) src(%arg10 : memref<4x8x1024xf32, #tpu.memory_space<vmem>>) dst(%dma_wait3A_422 : memref<4x8x1024xf32, #tpu.memory_space<hbm>>)
      %add3A_423 = arith.constant 2 : i32
      %add3A_424 = arith.addi %add3A_271, %add3A_423 : i32
      %lt3A_425 = arith.constant 32 : i32
      %lt3A_426 = arith.cmpi slt, %add3A_424, %lt3A_425 : i32
      %convert_element_type3A_427 = arith.extui %lt3A_426 : i1 to i32
      %cond3A_428 = arith.constant 0 : i32
      %cond3A_429 = arith.cmpi ne, %convert_element_type3A_427, %cond3A_428 : i32
      scf.if %cond3A_429 {
        %add3A_591 = arith.constant 2 : i32
        %add3A_592 = arith.addi %add3A_271, %add3A_591 : i32
        %jit3A_593 = arith.constant 4 : i32
        %div3A_594 = arith.divsi %add3A_592, %jit3A_593 : i32
        %sign3A_595 = arith.constant 0 : i32
        %sign3A_596 = arith.cmpi sgt, %add3A_592, %sign3A_595 : i32
        %sign3A_597 = arith.extui %sign3A_596 : i1 to i32
        %sign3A_598 = arith.constant 0 : i32
        %sign3A_599 = arith.cmpi slt, %add3A_592, %sign3A_598 : i32
        %sign3A_600 = arith.extui %sign3A_599 : i1 to i32
        %sign3A_601 = arith.subi %sign3A_597, %sign3A_600 : i32
        %sign3A_602 = arith.constant 0 : i32
        %sign3A_603 = arith.cmpi sgt, %jit3A_593, %sign3A_602 : i32
        %sign3A_604 = arith.extui %sign3A_603 : i1 to i32
        %sign3A_605 = arith.constant 0 : i32
        %sign3A_606 = arith.cmpi slt, %jit3A_593, %sign3A_605 : i32
        %sign3A_607 = arith.extui %sign3A_606 : i1 to i32
        %sign3A_608 = arith.subi %sign3A_604, %sign3A_607 : i32
        %ne3A_609 = arith.cmpi ne, %sign3A_601, %sign3A_608 : i32
        %rem3A_610 = arith.remsi %add3A_592, %jit3A_593 : i32
        %ne3A_611 = arith.constant 0 : i32
        %ne3A_612 = arith.cmpi ne, %rem3A_610, %ne3A_611 : i32
        %and3A_613 = arith.andi %ne3A_609, %ne3A_612 : i1
        %sub3A_614 = arith.constant 1 : i32
        %sub3A_615 = arith.subi %div3A_594, %sub3A_614 : i32
        %select_n3A_616 = arith.select %and3A_613, %sub3A_615, %div3A_594 : i32
        %eq3A_617 = arith.constant 0 : i32
        %eq3A_618 = arith.cmpi eq, %jit3A_593, %eq3A_617 : i32
        %jit3A_619 = arith.constant 1 : i32
        %select_n3A_620 = arith.select %eq3A_618, %jit3A_619, %jit3A_593 : i32
        %rem3A_621 = arith.remsi %add3A_592, %select_n3A_620 : i32
        %ne3A_622 = arith.constant 0 : i32
        %ne3A_623 = arith.cmpi ne, %rem3A_621, %ne3A_622 : i32
        %lt3A_624 = arith.constant 0 : i32
        %lt3A_625 = arith.cmpi slt, %rem3A_621, %lt3A_624 : i32
        %lt3A_626 = arith.constant 0 : i32
        %lt3A_627 = arith.cmpi slt, %select_n3A_620, %lt3A_626 : i32
        %ne3A_628 = arith.xori %lt3A_625, %lt3A_627 : i1
        %and3A_629 = arith.andi %ne3A_628, %ne3A_623 : i1
        %add3A_630 = arith.addi %rem3A_621, %select_n3A_620 : i32
        %select_n3A_631 = arith.select %and3A_629, %add3A_630, %rem3A_621 : i32
        %mul3A_632 = arith.constant 8 : i32
        %mul3A_633 = arith.muli %select_n3A_616, %mul3A_632 : i32
        %add3A_634 = arith.addi %mul3A_2, %mul3A_633 : i32
        %mul3A_635 = arith.constant 1024 : i32
        %mul3A_636 = arith.muli %select_n3A_631, %mul3A_635 : i32
        %dma_start3A_637 = tpu.memref_slice %arg3[%add3A_634, %mul3A_636] : memref<8192x4096xf32, #tpu.memory_space<hbm>> -> memref<8x1024xf32, #tpu.memory_space<hbm>>
        %dma_start3A_638 = tpu.memref_slice %arg3[%add3A_634, %mul3A_636] : memref<8192x4096xf32, #tpu.memory_space<hbm>> -> memref<8x1024xf32, #tpu.memory_space<hbm>>
        tpu.enqueue_dma source(%dma_start3A_638 : memref<8x1024xf32, #tpu.memory_space<hbm>>) target(%arg7 : memref<8x1024xf32, #tpu.memory_space<vmem>>) target_semaphore(%arg13 : memref<!tpu.dma_semaphore, #tpu.memory_space<semaphore_mem>>)
        %dma_start3A_639 = arith.constant 0 : i32
        %dma_start3A_640 = tpu.memref_slice %arg2[%dma_start3A_639, %add3A_634, %mul3A_636] : memref<4x2048x4096xf32, #tpu.memory_space<hbm>> -> memref<4x8x1024xf32, #tpu.memory_space<hbm>>
        %dma_start3A_641 = arith.constant 0 : i32
        %dma_start3A_642 = tpu.memref_slice %arg2[%dma_start3A_641, %add3A_634, %mul3A_636] : memref<4x2048x4096xf32, #tpu.memory_space<hbm>> -> memref<4x8x1024xf32, #tpu.memory_space<hbm>>
        tpu.enqueue_dma source(%dma_start3A_642 : memref<4x8x1024xf32, #tpu.memory_space<hbm>>) target(%arg10 : memref<4x8x1024xf32, #tpu.memory_space<vmem>>) target_semaphore(%arg16 : memref<!tpu.dma_semaphore, #tpu.memory_space<semaphore_mem>>)
      } else {
      }
      %add3A_430 = arith.constant 2 : i32
      %add3A_431 = arith.addi %add3A_121, %add3A_430 : i32
      %jit3A_432 = arith.constant 4 : i32
      %div3A_433 = arith.divsi %add3A_431, %jit3A_432 : i32
      %sign3A_434 = arith.constant 0 : i32
      %sign3A_435 = arith.cmpi sgt, %add3A_431, %sign3A_434 : i32
      %sign3A_436 = arith.extui %sign3A_435 : i1 to i32
      %sign3A_437 = arith.constant 0 : i32
      %sign3A_438 = arith.cmpi slt, %add3A_431, %sign3A_437 : i32
      %sign3A_439 = arith.extui %sign3A_438 : i1 to i32
      %sign3A_440 = arith.subi %sign3A_436, %sign3A_439 : i32
      %sign3A_441 = arith.constant 0 : i32
      %sign3A_442 = arith.cmpi sgt, %jit3A_432, %sign3A_441 : i32
      %sign3A_443 = arith.extui %sign3A_442 : i1 to i32
      %sign3A_444 = arith.constant 0 : i32
      %sign3A_445 = arith.cmpi slt, %jit3A_432, %sign3A_444 : i32
      %sign3A_446 = arith.extui %sign3A_445 : i1 to i32
      %sign3A_447 = arith.subi %sign3A_443, %sign3A_446 : i32
      %ne3A_448 = arith.cmpi ne, %sign3A_440, %sign3A_447 : i32
      %rem3A_449 = arith.remsi %add3A_431, %jit3A_432 : i32
      %ne3A_450 = arith.constant 0 : i32
      %ne3A_451 = arith.cmpi ne, %rem3A_449, %ne3A_450 : i32
      %and3A_452 = arith.andi %ne3A_448, %ne3A_451 : i1
      %sub3A_453 = arith.constant 1 : i32
      %sub3A_454 = arith.subi %div3A_433, %sub3A_453 : i32
      %select_n3A_455 = arith.select %and3A_452, %sub3A_454, %div3A_433 : i32
      %eq3A_456 = arith.constant 0 : i32
      %eq3A_457 = arith.cmpi eq, %jit3A_432, %eq3A_456 : i32
      %jit3A_458 = arith.constant 1 : i32
      %select_n3A_459 = arith.select %eq3A_457, %jit3A_458, %jit3A_432 : i32
      %rem3A_460 = arith.remsi %add3A_431, %select_n3A_459 : i32
      %ne3A_461 = arith.constant 0 : i32
      %ne3A_462 = arith.cmpi ne, %rem3A_460, %ne3A_461 : i32
      %lt3A_463 = arith.constant 0 : i32
      %lt3A_464 = arith.cmpi slt, %rem3A_460, %lt3A_463 : i32
      %lt3A_465 = arith.constant 0 : i32
      %lt3A_466 = arith.cmpi slt, %select_n3A_459, %lt3A_465 : i32
      %ne3A_467 = arith.xori %lt3A_464, %lt3A_466 : i1
      %and3A_468 = arith.andi %ne3A_467, %ne3A_462 : i1
      %add3A_469 = arith.addi %rem3A_460, %select_n3A_459 : i32
      %select_n3A_470 = arith.select %and3A_468, %add3A_469, %rem3A_460 : i32
      %mul3A_471 = arith.constant 8 : i32
      %mul3A_472 = arith.muli %select_n3A_455, %mul3A_471 : i32
      %add3A_473 = arith.addi %mul3A_2, %mul3A_472 : i32
      %mul3A_474 = arith.constant 1024 : i32
      %mul3A_475 = arith.muli %select_n3A_470, %mul3A_474 : i32
      %dma_wait3A_476 = tpu.memref_slice %arg3[%add3A_473, %mul3A_475] : memref<8192x4096xf32, #tpu.memory_space<hbm>> -> memref<8x1024xf32, #tpu.memory_space<hbm>>
      %dma_wait3A_477 = tpu.memref_slice %arg3[%add3A_473, %mul3A_475] : memref<8192x4096xf32, #tpu.memory_space<hbm>> -> memref<8x1024xf32, #tpu.memory_space<hbm>>
      tpu.wait_dma2 semaphore(%arg12 : memref<!tpu.dma_semaphore, #tpu.memory_space<semaphore_mem>>) src(%dma_wait3A_477 : memref<8x1024xf32, #tpu.memory_space<hbm>>) dst(%arg6 : memref<8x1024xf32, #tpu.memory_space<vmem>>)
      %dma_wait3A_478 = arith.constant 0 : i32
      %dma_wait3A_479 = tpu.memref_slice %arg2[%dma_wait3A_478, %add3A_473, %mul3A_475] : memref<4x2048x4096xf32, #tpu.memory_space<hbm>> -> memref<4x8x1024xf32, #tpu.memory_space<hbm>>
      %dma_wait3A_480 = arith.constant 0 : i32
      %dma_wait3A_481 = tpu.memref_slice %arg2[%dma_wait3A_480, %add3A_473, %mul3A_475] : memref<4x2048x4096xf32, #tpu.memory_space<hbm>> -> memref<4x8x1024xf32, #tpu.memory_space<hbm>>
      tpu.wait_dma2 semaphore(%arg15 : memref<!tpu.dma_semaphore, #tpu.memory_space<semaphore_mem>>) src(%dma_wait3A_481 : memref<4x8x1024xf32, #tpu.memory_space<hbm>>) dst(%arg9 : memref<4x8x1024xf32, #tpu.memory_space<vmem>>)
      %parallel_loop3A_482 = arith.constant 0 : i32
      %parallel_loop3A_483 = arith.constant 512 : i32
      %parallel_loop3A_484 = arith.constant 1 : i32
      scf.for %parallel_loop3A_591 = %parallel_loop3A_482 to %parallel_loop3A_483 step %parallel_loop3A_484  : i32 {
        %parallel_loop3A_592 = arith.constant 7 : i32
        %parallel_loop3A_593 = arith.andi %parallel_loop3A_591, %parallel_loop3A_592 : i32
        %parallel_loop3A_594 = arith.constant 3 : i32
        %parallel_loop3A_595 = arith.shrsi %parallel_loop3A_591, %parallel_loop3A_594 : i32
        %parallel_loop3A_596 = arith.constant 16 : i32
        %parallel_loop3A_597 = arith.muli %parallel_loop3A_595, %parallel_loop3A_596 : i32
        %parallel_loop3A_598 = arith.index_cast %parallel_loop3A_593 : i32 to index
        %parallel_loop3A_599 = arith.index_cast %parallel_loop3A_597 : i32 to index
        %parallel_loop3A_600 = tpu.vector_load %arg6[%parallel_loop3A_598, %parallel_loop3A_599] {strides = array<i32>} : memref<8x1024xf32, #tpu.memory_space<vmem>>, vector<1x16xf32>,
        %parallel_loop3A_601 = vector.shape_cast %parallel_loop3A_600 : vector<1x16xf32> to vector<16xf32>
        %parallel_loop3A_602 = arith.constant 0 : i32
        %parallel_loop3A_603 = arith.index_cast %parallel_loop3A_602 : i32 to index
        %parallel_loop3A_604 = arith.index_cast %parallel_loop3A_593 : i32 to index
        %parallel_loop3A_605 = arith.index_cast %parallel_loop3A_597 : i32 to index
        %parallel_loop3A_606 = tpu.vector_load %arg9[%parallel_loop3A_603, %parallel_loop3A_604, %parallel_loop3A_605] {strides = array<i32>} : memref<4x8x1024xf32, #tpu.memory_space<vmem>>, vector<1x1x16xf32>,
        %parallel_loop3A_607 = vector.shape_cast %parallel_loop3A_606 : vector<1x1x16xf32> to vector<16xf32>
        %parallel_loop3A_608 = arith.addf %parallel_loop3A_607, %parallel_loop3A_601 : vector<16xf32>
        %parallel_loop3A_609 = arith.constant 0 : i32
        %parallel_loop3A_610 = arith.index_cast %parallel_loop3A_609 : i32 to index
        %parallel_loop3A_611 = arith.index_cast %parallel_loop3A_593 : i32 to index
        %parallel_loop3A_612 = arith.index_cast %parallel_loop3A_597 : i32 to index
        %parallel_loop3A_613 = tpu.vector_load %arg9[%parallel_loop3A_610, %parallel_loop3A_611, %parallel_loop3A_612] {strides = array<i32>} : memref<4x8x1024xf32, #tpu.memory_space<vmem>>, vector<1x1x16xf32>,
        %parallel_loop3A_614 = vector.shape_cast %parallel_loop3A_613 : vector<1x1x16xf32> to vector<16xf32>
        %parallel_loop3A_615 = vector.shape_cast %parallel_loop3A_608 : vector<16xf32> to vector<1x1x16xf32>
        tpu.vector_store %arg9[%parallel_loop3A_610, %parallel_loop3A_611, %parallel_loop3A_612], %parallel_loop3A_615 {strides = array<i32>} : memref<4x8x1024xf32, #tpu.memory_space<vmem>>, vector<1x1x16xf32>,
        %parallel_loop3A_616 = arith.constant 1 : i32
        %parallel_loop3A_617 = arith.index_cast %parallel_loop3A_616 : i32 to index
        %parallel_loop3A_618 = arith.index_cast %parallel_loop3A_593 : i32 to index
        %parallel_loop3A_619 = arith.index_cast %parallel_loop3A_597 : i32 to index
        %parallel_loop3A_620 = tpu.vector_load %arg9[%parallel_loop3A_617, %parallel_loop3A_618, %parallel_loop3A_619] {strides = array<i32>} : memref<4x8x1024xf32, #tpu.memory_space<vmem>>, vector<1x1x16xf32>,
        %parallel_loop3A_621 = vector.shape_cast %parallel_loop3A_620 : vector<1x1x16xf32> to vector<16xf32>
        %parallel_loop3A_622 = arith.addf %parallel_loop3A_621, %parallel_loop3A_601 : vector<16xf32>
        %parallel_loop3A_623 = arith.constant 1 : i32
        %parallel_loop3A_624 = arith.index_cast %parallel_loop3A_623 : i32 to index
        %parallel_loop3A_625 = arith.index_cast %parallel_loop3A_593 : i32 to index
        %parallel_loop3A_626 = arith.index_cast %parallel_loop3A_597 : i32 to index
        %parallel_loop3A_627 = tpu.vector_load %arg9[%parallel_loop3A_624, %parallel_loop3A_625, %parallel_loop3A_626] {strides = array<i32>} : memref<4x8x1024xf32, #tpu.memory_space<vmem>>, vector<1x1x16xf32>,
        %parallel_loop3A_628 = vector.shape_cast %parallel_loop3A_627 : vector<1x1x16xf32> to vector<16xf32>
        %parallel_loop3A_629 = vector.shape_cast %parallel_loop3A_622 : vector<16xf32> to vector<1x1x16xf32>
        tpu.vector_store %arg9[%parallel_loop3A_624, %parallel_loop3A_625, %parallel_loop3A_626], %parallel_loop3A_629 {strides = array<i32>} : memref<4x8x1024xf32, #tpu.memory_space<vmem>>, vector<1x1x16xf32>,
        %parallel_loop3A_630 = arith.constant 2 : i32
        %parallel_loop3A_631 = arith.index_cast %parallel_loop3A_630 : i32 to index
        %parallel_loop3A_632 = arith.index_cast %parallel_loop3A_593 : i32 to index
        %parallel_loop3A_633 = arith.index_cast %parallel_loop3A_597 : i32 to index
        %parallel_loop3A_634 = tpu.vector_load %arg9[%parallel_loop3A_631, %parallel_loop3A_632, %parallel_loop3A_633] {strides = array<i32>} : memref<4x8x1024xf32, #tpu.memory_space<vmem>>, vector<1x1x16xf32>,
        %parallel_loop3A_635 = vector.shape_cast %parallel_loop3A_634 : vector<1x1x16xf32> to vector<16xf32>
        %parallel_loop3A_636 = arith.addf %parallel_loop3A_635, %parallel_loop3A_601 : vector<16xf32>
        %parallel_loop3A_637 = arith.constant 2 : i32
        %parallel_loop3A_638 = arith.index_cast %parallel_loop3A_637 : i32 to index
        %parallel_loop3A_639 = arith.index_cast %parallel_loop3A_593 : i32 to index
        %parallel_loop3A_640 = arith.index_cast %parallel_loop3A_597 : i32 to index
        %parallel_loop3A_641 = tpu.vector_load %arg9[%parallel_loop3A_638, %parallel_loop3A_639, %parallel_loop3A_640] {strides = array<i32>} : memref<4x8x1024xf32, #tpu.memory_space<vmem>>, vector<1x1x16xf32>,
        %parallel_loop3A_642 = vector.shape_cast %parallel_loop3A_641 : vector<1x1x16xf32> to vector<16xf32>
        %parallel_loop3A_643 = vector.shape_cast %parallel_loop3A_636 : vector<16xf32> to vector<1x1x16xf32>
        tpu.vector_store %arg9[%parallel_loop3A_638, %parallel_loop3A_639, %parallel_loop3A_640], %parallel_loop3A_643 {strides = array<i32>} : memref<4x8x1024xf32, #tpu.memory_space<vmem>>, vector<1x1x16xf32>,
        %parallel_loop3A_644 = arith.constant 3 : i32
        %parallel_loop3A_645 = arith.index_cast %parallel_loop3A_644 : i32 to index
        %parallel_loop3A_646 = arith.index_cast %parallel_loop3A_593 : i32 to index
        %parallel_loop3A_647 = arith.index_cast %parallel_loop3A_597 : i32 to index
        %parallel_loop3A_648 = tpu.vector_load %arg9[%parallel_loop3A_645, %parallel_loop3A_646, %parallel_loop3A_647] {strides = array<i32>} : memref<4x8x1024xf32, #tpu.memory_space<vmem>>, vector<1x1x16xf32>,
        %parallel_loop3A_649 = vector.shape_cast %parallel_loop3A_648 : vector<1x1x16xf32> to vector<16xf32>
        %parallel_loop3A_650 = arith.addf %parallel_loop3A_649, %parallel_loop3A_601 : vector<16xf32>
        %parallel_loop3A_651 = arith.constant 3 : i32
        %parallel_loop3A_652 = arith.index_cast %parallel_loop3A_651 : i32 to index
        %parallel_loop3A_653 = arith.index_cast %parallel_loop3A_593 : i32 to index
        %parallel_loop3A_654 = arith.index_cast %parallel_loop3A_597 : i32 to index
        %parallel_loop3A_655 = tpu.vector_load %arg9[%parallel_loop3A_652, %parallel_loop3A_653, %parallel_loop3A_654] {strides = array<i32>} : memref<4x8x1024xf32, #tpu.memory_space<vmem>>, vector<1x1x16xf32>,
        %parallel_loop3A_656 = vector.shape_cast %parallel_loop3A_655 : vector<1x1x16xf32> to vector<16xf32>
        %parallel_loop3A_657 = vector.shape_cast %parallel_loop3A_650 : vector<16xf32> to vector<1x1x16xf32>
        tpu.vector_store %arg9[%parallel_loop3A_652, %parallel_loop3A_653, %parallel_loop3A_654], %parallel_loop3A_657 {strides = array<i32>} : memref<4x8x1024xf32, #tpu.memory_space<vmem>>, vector<1x1x16xf32>,
      } {sc.loop_unroll_factor = 1 : i64, sc.parallel_access}
      %jit3A_485 = arith.constant 4 : i32
      %div3A_486 = arith.divsi %add3A_431, %jit3A_485 : i32
      %sign3A_487 = arith.constant 0 : i32
      %sign3A_488 = arith.cmpi sgt, %add3A_431, %sign3A_487 : i32
      %sign3A_489 = arith.extui %sign3A_488 : i1 to i32
      %sign3A_490 = arith.constant 0 : i32
      %sign3A_491 = arith.cmpi slt, %add3A_431, %sign3A_490 : i32
      %sign3A_492 = arith.extui %sign3A_491 : i1 to i32
      %sign3A_493 = arith.subi %sign3A_489, %sign3A_492 : i32
      %sign3A_494 = arith.constant 0 : i32
      %sign3A_495 = arith.cmpi sgt, %jit3A_485, %sign3A_494 : i32
      %sign3A_496 = arith.extui %sign3A_495 : i1 to i32
      %sign3A_497 = arith.constant 0 : i32
      %sign3A_498 = arith.cmpi slt, %jit3A_485, %sign3A_497 : i32
      %sign3A_499 = arith.extui %sign3A_498 : i1 to i32
      %sign3A_500 = arith.subi %sign3A_496, %sign3A_499 : i32
      %ne3A_501 = arith.cmpi ne, %sign3A_493, %sign3A_500 : i32
      %rem3A_502 = arith.remsi %add3A_431, %jit3A_485 : i32
      %ne3A_503 = arith.constant 0 : i32
      %ne3A_504 = arith.cmpi ne, %rem3A_502, %ne3A_503 : i32
      %and3A_505 = arith.andi %ne3A_501, %ne3A_504 : i1
      %sub3A_506 = arith.constant 1 : i32
      %sub3A_507 = arith.subi %div3A_486, %sub3A_506 : i32
      %select_n3A_508 = arith.select %and3A_505, %sub3A_507, %div3A_486 : i32
      %eq3A_509 = arith.constant 0 : i32
      %eq3A_510 = arith.cmpi eq, %jit3A_485, %eq3A_509 : i32
      %jit3A_511 = arith.constant 1 : i32
      %select_n3A_512 = arith.select %eq3A_510, %jit3A_511, %jit3A_485 : i32
      %rem3A_513 = arith.remsi %add3A_431, %select_n3A_512 : i32
      %ne3A_514 = arith.constant 0 : i32
      %ne3A_515 = arith.cmpi ne, %rem3A_513, %ne3A_514 : i32
      %lt3A_516 = arith.constant 0 : i32
      %lt3A_517 = arith.cmpi slt, %rem3A_513, %lt3A_516 : i32
      %lt3A_518 = arith.constant 0 : i32
      %lt3A_519 = arith.cmpi slt, %select_n3A_512, %lt3A_518 : i32
      %ne3A_520 = arith.xori %lt3A_517, %lt3A_519 : i1
      %and3A_521 = arith.andi %ne3A_520, %ne3A_515 : i1
      %add3A_522 = arith.addi %rem3A_513, %select_n3A_512 : i32
      %select_n3A_523 = arith.select %and3A_521, %add3A_522, %rem3A_513 : i32
      %mul3A_524 = arith.constant 8 : i32
      %mul3A_525 = arith.muli %select_n3A_508, %mul3A_524 : i32
      %add3A_526 = arith.addi %mul3A_2, %mul3A_525 : i32
      %mul3A_527 = arith.constant 1024 : i32
      %mul3A_528 = arith.muli %select_n3A_523, %mul3A_527 : i32
      %dma_start3A_529 = arith.constant 0 : i32
      %dma_start3A_530 = tpu.memref_slice %arg4[%dma_start3A_529, %add3A_526, %mul3A_528] : memref<4x2048x4096xf32, #tpu.memory_space<hbm>> -> memref<4x8x1024xf32, #tpu.memory_space<hbm>>
      %dma_start3A_531 = arith.constant 0 : i32
      %dma_start3A_532 = tpu.memref_slice %arg4[%dma_start3A_531, %add3A_526, %mul3A_528] : memref<4x2048x4096xf32, #tpu.memory_space<hbm>> -> memref<4x8x1024xf32, #tpu.memory_space<hbm>>
      tpu.enqueue_dma source(%arg9 : memref<4x8x1024xf32, #tpu.memory_space<vmem>>) target(%dma_start3A_532 : memref<4x8x1024xf32, #tpu.memory_space<hbm>>) target_semaphore(%arg18 : memref<!tpu.dma_semaphore, #tpu.memory_space<semaphore_mem>>)
      %sub3A_533 = arith.constant 1 : i32
      %sub3A_534 = arith.subi %add3A_431, %sub3A_533 : i32
      %jit3A_535 = arith.constant 4 : i32
      %div3A_536 = arith.divsi %sub3A_534, %jit3A_535 : i32
      %sign3A_537 = arith.constant 0 : i32
      %sign3A_538 = arith.cmpi sgt, %sub3A_534, %sign3A_537 : i32
      %sign3A_539 = arith.extui %sign3A_538 : i1 to i32
      %sign3A_540 = arith.constant 0 : i32
      %sign3A_541 = arith.cmpi slt, %sub3A_534, %sign3A_540 : i32
      %sign3A_542 = arith.extui %sign3A_541 : i1 to i32
      %sign3A_543 = arith.subi %sign3A_539, %sign3A_542 : i32
      %sign3A_544 = arith.constant 0 : i32
      %sign3A_545 = arith.cmpi sgt, %jit3A_535, %sign3A_544 : i32
      %sign3A_546 = arith.extui %sign3A_545 : i1 to i32
      %sign3A_547 = arith.constant 0 : i32
      %sign3A_548 = arith.cmpi slt, %jit3A_535, %sign3A_547 : i32
      %sign3A_549 = arith.extui %sign3A_548 : i1 to i32
      %sign3A_550 = arith.subi %sign3A_546, %sign3A_549 : i32
      %ne3A_551 = arith.cmpi ne, %sign3A_543, %sign3A_550 : i32
      %rem3A_552 = arith.remsi %sub3A_534, %jit3A_535 : i32
      %ne3A_553 = arith.constant 0 : i32
      %ne3A_554 = arith.cmpi ne, %rem3A_552, %ne3A_553 : i32
      %and3A_555 = arith.andi %ne3A_551, %ne3A_554 : i1
      %sub3A_556 = arith.constant 1 : i32
      %sub3A_557 = arith.subi %div3A_536, %sub3A_556 : i32
      %select_n3A_558 = arith.select %and3A_555, %sub3A_557, %div3A_536 : i32
      %eq3A_559 = arith.constant 0 : i32
      %eq3A_560 = arith.cmpi eq, %jit3A_535, %eq3A_559 : i32
      %jit3A_561 = arith.constant 1 : i32
      %select_n3A_562 = arith.select %eq3A_560, %jit3A_561, %jit3A_535 : i32
      %rem3A_563 = arith.remsi %sub3A_534, %select_n3A_562 : i32
      %ne3A_564 = arith.constant 0 : i32
      %ne3A_565 = arith.cmpi ne, %rem3A_563, %ne3A_564 : i32
      %lt3A_566 = arith.constant 0 : i32
      %lt3A_567 = arith.cmpi slt, %rem3A_563, %lt3A_566 : i32
      %lt3A_568 = arith.constant 0 : i32
      %lt3A_569 = arith.cmpi slt, %select_n3A_562, %lt3A_568 : i32
      %ne3A_570 = arith.xori %lt3A_567, %lt3A_569 : i1
      %and3A_571 = arith.andi %ne3A_570, %ne3A_565 : i1
      %add3A_572 = arith.addi %rem3A_563, %select_n3A_562 : i32
      %select_n3A_573 = arith.select %and3A_571, %add3A_572, %rem3A_563 : i32
      %mul3A_574 = arith.constant 8 : i32
      %mul3A_575 = arith.muli %select_n3A_558, %mul3A_574 : i32
      %add3A_576 = arith.addi %mul3A_2, %mul3A_575 : i32
      %mul3A_577 = arith.constant 1024 : i32
      %mul3A_578 = arith.muli %select_n3A_573, %mul3A_577 : i32
      %dma_wait3A_579 = arith.constant 0 : i32
      %dma_wait3A_580 = tpu.memref_slice %arg4[%dma_wait3A_579, %add3A_576, %mul3A_578] : memref<4x2048x4096xf32, #tpu.memory_space<hbm>> -> memref<4x8x1024xf32, #tpu.memory_space<hbm>>
      %dma_wait3A_581 = arith.constant 0 : i32
      %dma_wait3A_582 = tpu.memref_slice %arg4[%dma_wait3A_581, %add3A_576, %mul3A_578] : memref<4x2048x4096xf32, #tpu.memory_space<hbm>> -> memref<4x8x1024xf32, #tpu.memory_space<hbm>>
      tpu.wait_dma2 semaphore(%arg17 : memref<!tpu.dma_semaphore, #tpu.memory_space<semaphore_mem>>) src(%arg8 : memref<4x8x1024xf32, #tpu.memory_space<vmem>>) dst(%dma_wait3A_582 : memref<4x8x1024xf32, #tpu.memory_space<hbm>>)
      %add3A_583 = arith.constant 2 : i32
      %add3A_584 = arith.addi %add3A_431, %add3A_583 : i32
      %lt3A_585 = arith.constant 32 : i32
      %lt3A_586 = arith.cmpi slt, %add3A_584, %lt3A_585 : i32
      %convert_element_type3A_587 = arith.extui %lt3A_586 : i1 to i32
      %cond3A_588 = arith.constant 0 : i32
      %cond3A_589 = arith.cmpi ne, %convert_element_type3A_587, %cond3A_588 : i32
      scf.if %cond3A_589 {
        %add3A_591 = arith.constant 2 : i32
        %add3A_592 = arith.addi %add3A_431, %add3A_591 : i32
        %jit3A_593 = arith.constant 4 : i32
        %div3A_594 = arith.divsi %add3A_592, %jit3A_593 : i32
        %sign3A_595 = arith.constant 0 : i32
        %sign3A_596 = arith.cmpi sgt, %add3A_592, %sign3A_595 : i32
        %sign3A_597 = arith.extui %sign3A_596 : i1 to i32
        %sign3A_598 = arith.constant 0 : i32
        %sign3A_599 = arith.cmpi slt, %add3A_592, %sign3A_598 : i32
        %sign3A_600 = arith.extui %sign3A_599 : i1 to i32
        %sign3A_601 = arith.subi %sign3A_597, %sign3A_600 : i32
        %sign3A_602 = arith.constant 0 : i32
        %sign3A_603 = arith.cmpi sgt, %jit3A_593, %sign3A_602 : i32
        %sign3A_604 = arith.extui %sign3A_603 : i1 to i32
        %sign3A_605 = arith.constant 0 : i32
        %sign3A_606 = arith.cmpi slt, %jit3A_593, %sign3A_605 : i32
        %sign3A_607 = arith.extui %sign3A_606 : i1 to i32
        %sign3A_608 = arith.subi %sign3A_604, %sign3A_607 : i32
        %ne3A_609 = arith.cmpi ne, %sign3A_601, %sign3A_608 : i32
        %rem3A_610 = arith.remsi %add3A_592, %jit3A_593 : i32
        %ne3A_611 = arith.constant 0 : i32
        %ne3A_612 = arith.cmpi ne, %rem3A_610, %ne3A_611 : i32
        %and3A_613 = arith.andi %ne3A_609, %ne3A_612 : i1
        %sub3A_614 = arith.constant 1 : i32
        %sub3A_615 = arith.subi %div3A_594, %sub3A_614 : i32
        %select_n3A_616 = arith.select %and3A_613, %sub3A_615, %div3A_594 : i32
        %eq3A_617 = arith.constant 0 : i32
        %eq3A_618 = arith.cmpi eq, %jit3A_593, %eq3A_617 : i32
        %jit3A_619 = arith.constant 1 : i32
        %select_n3A_620 = arith.select %eq3A_618, %jit3A_619, %jit3A_593 : i32
        %rem3A_621 = arith.remsi %add3A_592, %select_n3A_620 : i32
        %ne3A_622 = arith.constant 0 : i32
        %ne3A_623 = arith.cmpi ne, %rem3A_621, %ne3A_622 : i32
        %lt3A_624 = arith.constant 0 : i32
        %lt3A_625 = arith.cmpi slt, %rem3A_621, %lt3A_624 : i32
        %lt3A_626 = arith.constant 0 : i32
        %lt3A_627 = arith.cmpi slt, %select_n3A_620, %lt3A_626 : i32
        %ne3A_628 = arith.xori %lt3A_625, %lt3A_627 : i1
        %and3A_629 = arith.andi %ne3A_628, %ne3A_623 : i1
        %add3A_630 = arith.addi %rem3A_621, %select_n3A_620 : i32
        %select_n3A_631 = arith.select %and3A_629, %add3A_630, %rem3A_621 : i32
        %mul3A_632 = arith.constant 8 : i32
        %mul3A_633 = arith.muli %select_n3A_616, %mul3A_632 : i32
        %add3A_634 = arith.addi %mul3A_2, %mul3A_633 : i32
        %mul3A_635 = arith.constant 1024 : i32
        %mul3A_636 = arith.muli %select_n3A_631, %mul3A_635 : i32
        %dma_start3A_637 = tpu.memref_slice %arg3[%add3A_634, %mul3A_636] : memref<8192x4096xf32, #tpu.memory_space<hbm>> -> memref<8x1024xf32, #tpu.memory_space<hbm>>
        %dma_start3A_638 = tpu.memref_slice %arg3[%add3A_634, %mul3A_636] : memref<8192x4096xf32, #tpu.memory_space<hbm>> -> memref<8x1024xf32, #tpu.memory_space<hbm>>
        tpu.enqueue_dma source(%dma_start3A_638 : memref<8x1024xf32, #tpu.memory_space<hbm>>) target(%arg5 : memref<8x1024xf32, #tpu.memory_space<vmem>>) target_semaphore(%arg11 : memref<!tpu.dma_semaphore, #tpu.memory_space<semaphore_mem>>)
        %dma_start3A_639 = arith.constant 0 : i32
        %dma_start3A_640 = tpu.memref_slice %arg2[%dma_start3A_639, %add3A_634, %mul3A_636] : memref<4x2048x4096xf32, #tpu.memory_space<hbm>> -> memref<4x8x1024xf32, #tpu.memory_space<hbm>>
        %dma_start3A_641 = arith.constant 0 : i32
        %dma_start3A_642 = tpu.memref_slice %arg2[%dma_start3A_641, %add3A_634, %mul3A_636] : memref<4x2048x4096xf32, #tpu.memory_space<hbm>> -> memref<4x8x1024xf32, #tpu.memory_space<hbm>>
        tpu.enqueue_dma source(%dma_start3A_642 : memref<4x8x1024xf32, #tpu.memory_space<hbm>>) target(%arg8 : memref<4x8x1024xf32, #tpu.memory_space<vmem>>) target_semaphore(%arg14 : memref<!tpu.dma_semaphore, #tpu.memory_space<semaphore_mem>>)
      } else {
      }
      %scan3A_590 = arith.constant 0 : i32
      scf.yield %scan3A_590 : i32
    }
    %scan3A_107 = arith.constant 10 : i32
    %add3A_108 = arith.constant 56 : i32
    %add3A_109 = arith.addi %mul3A_2, %add3A_108 : i32
    %dma_wait3A_110 = arith.constant 0 : i32
    %dma_wait3A_111 = arith.constant 3072 : i32
    %dma_wait3A_112 = tpu.memref_slice %arg4[%dma_wait3A_110, %add3A_109, %dma_wait3A_111] : memref<4x2048x4096xf32, #tpu.memory_space<hbm>> -> memref<4x8x1024xf32, #tpu.memory_space<hbm>>
    %dma_wait3A_113 = arith.constant 0 : i32
    %dma_wait3A_114 = arith.constant 3072 : i32
    %dma_wait3A_115 = tpu.memref_slice %arg4[%dma_wait3A_113, %add3A_109, %dma_wait3A_114] : memref<4x2048x4096xf32, #tpu.memory_space<hbm>> -> memref<4x8x1024xf32, #tpu.memory_space<hbm>>
    tpu.wait_dma2 semaphore(%arg18 : memref<!tpu.dma_semaphore, #tpu.memory_space<semaphore_mem>>) src(%arg9 : memref<4x8x1024xf32, #tpu.memory_space<vmem>>) dst(%dma_wait3A_115 : memref<4x8x1024xf32, #tpu.memory_space<hbm>>)
    return
  }
}

</mosaic_0001>

<sc_bundles>
// kernel: kernel.3.cloned.1.call-start
scs
__scs_entry_jumppad:
0x0: {  	(pc) =	sbr.rel $0x88, $3  }
0x1: {  	(tag) =	ssettag $0x0;
	lr =	simm.s32 $0x1  }
0x2: {  	[smem:$0x3F9F] =	sst lr;
	_ =	strace $0xD0000000  }
0x3: {  	_ = 	snop  }
0x4: {  	_ = 	snop  }
0x5: {  	_ = 	snop  }
0x6: {  	_ = 	snop  }
0x7: {  	_ = 	snop  }
__scs_overlays_trampoline_lowered:
0x8: {  	[smem:$0x3FAE] =	sst s0  }
0x9: {  	[smem:$0x3FAF] =	sst s1  }
0xa: {  	[smem:$0x3FB0] =	sst s2  }
0xb: {  	[smem:$0x3FB1] =	sst s3  }
0xc: {  	[smem:$0x3FB2] =	sst s4  }
0xd: {  	[smem:$0x3FB3] =	sst s5  }
0xe: {  	[smem:$0x3FB4] =	sst s6  }
0xf: {  	[smem:$0x3FB5] =	sst s7  }
0x10: {  	[smem:$0x3FB6] =	sst s8  }
0x11: {  	[smem:$0x3FB7] =	sst s9;
	s0 =	simm.s32 @!p0 $0x0  }
0x12: {  	s1 =	sld [smem:$0x3F9D];
	s0 =	simm.s32 @p0 $0x1  }
0x13: {  	[smem:$0x3FB8] =	sst s0;
	s0 =	simm.s32 @!p1 $0x0  }
0x14: {  	s2 =	sld [smem:$0x3F9C];
	s0 =	simm.s32 @p1 $0x1  }
0x15: {  	[smem:$0x3FB9] =	sst s0;
	s0 =	simm.s32 @!p2 $0x0  }
0x16: {  	s3 =	sld [smem:$0x3FDB];
	s0 =	simm.s32 @p2 $0x1  }
0x17: {  	s4 =	simm.s32 $0x1BF5;
	[smem:$0x3FBB] =	sst s0  }
0x18: {  	s0 =	sld [smem:$0x3F9E];
	_ =	swait.ge [sflag:s4], $0x0  }
0x19: {  	s7 =	sld [smem:$0x3F9F]  }
0x1a: {  	s8 =	sadd.s32 $0xFFFFE003, lr  }
0x1b: {  	s9 =	sadd.s32 $0xFFFFFEF7, lr;
	s5 =	simm.s32 $0xFFFFFFFF;
	p2 =	slt.u32 s8, $0xFFFFF086  }
0x1c: {  	p1 =	slt.u32 s9, $0xF7A;
	s5 =	simm.s32 @!p2 $0x0  }
0x1d: {  	s5 =	simm.s32 @p1 $0x1;
	p0 =	seq.s32 s7, s2  }
0x1e: {  	s7 =	smul.u32 @!p0 $0xF7A, s2;
	p2 =	seq.s32 @!p0 s5, $0x0  }
0x1f: {  	s9 =	smul.u32 $0xF7A, s1;
	s8 =	simm.s32 @!p0 $0x1BF5;
	p2 =	por !p2, p0  }
0x20: {  	[sflag:s8] =	ssyncset.s32 @!p0 $0xFFFFF086;
	s6 =	sadd.s32 @!p0 s3, s7;
	s7 =	simm.s32 @!p0 $0x108  }
0x21: {  	s3 =	sadd.s32 s3, s9;
	s6 =	sadd.s32 @!p0 $0x88, s6;
	s7 =	simm.s32 @p2 $0x1082  }
0x22: {  	[simem:s7], [sflag:s8] =	dma.local @!p0 [hbm:s6], $0xF7A  }
0x23: {  	s9 =	sor.u32 $0xD0000000, s2;
	s6 =	simm.s32 $0x108;
	_ =	swait.ge @!p0 [sflag:s8], $0x0  }
0x24: {  	s3 =	sadd.s32 $0x88, s3;
	s6 =	simm.s32 @!p1 $0x1082;
	[sflag:s4] =	ssyncset.s32 $0xFFFFF086  }
0x25: {  	[simem:s6], [sflag:s4] =	dma.local [hbm:s3], $0xF7A  }
0x26: {  	[smem:$0x3F9F] =	sst s1;
	(tag) =	ssettag s2;
	_ =	strace s9  }
0x27: {  	s1 =	sld [smem:$0x3FAF]  }
0x28: {  	s2 =	sld [smem:$0x3FB0]  }
0x29: {  	s4 =	sld [smem:$0x3FB2]  }
0x2a: {  	p0 =	seq.s32 s5, $0x0;
	s5 =	sld [smem:$0x3FB3]  }
0x2b: {  	s6 =	sld [smem:$0x3FB4]  }
0x2c: {  	s7 =	sld [smem:$0x3FB5]  }
0x2d: {  	s3 =	simm.s32 $0x108;
	s8 =	sld [smem:$0x3FB6]  }
0x2e: {  	s3 =	simm.s32 @!p0 $0x1082;
	s9 =	sld [smem:$0x3FB7]  }
0x2f: {  	lr =	sadd.s32 s0, s3;
	s0 =	sld [smem:$0x3FAE]  }
0x30: {  	s3 =	sld [smem:$0x3FB1]  }
0x31: {  	[smem:$0x3FBA] =	sst s10  }
0x32: {  	s10 =	sld [smem:$0x3FB8];
	_ =	sdelay $0x3  }
0x33: {  	p0 =	seq.s32 s10, $0x1;
	s10 =	sld [smem:$0x3FBA];
	_ =	sdelay $0x3  }
0x34: {  	[smem:$0x3FBA] =	sst s10  }
0x35: {  	s10 =	sld [smem:$0x3FB9];
	_ =	sdelay $0x3  }
0x36: {  	p1 =	seq.s32 s10, $0x1;
	s10 =	sld [smem:$0x3FBA];
	_ =	sdelay $0x3  }
0x37: {  	[smem:$0x3FBA] =	sst s10  }
0x38: {  	s10 =	sld [smem:$0x3FBB]  }
0x39: {  	_ = 	snop;
	(pc) =	sbr.ind lr, $3  }
0x3a: {  	_ = 	snop  }
0x3b: {  	_ = 	snop  }
0x3c: {  	p2 =	seq.s32 s10, $0x1;
	s10 =	sld [smem:$0x3FBA]  }
0x3d: {  	_ =	shalt  }
0x3e: {  	_ =	shalt  }
0x3f: {  	_ =	shalt  }
0x40: {  	_ =	shalt  }
0x41: {  	_ =	shalt  }
0x42: {  	_ =	shalt  }
0x43: {  	_ =	shalt  }
0x44: {  	_ =	shalt  }
0x45: {  	_ =	shalt  }
0x46: {  	_ =	shalt  }
0x47: {  	_ =	shalt  }
0x48: {  	_ =	shalt  }
0x49: {  	_ =	shalt  }
0x4a: {  	_ =	shalt  }
0x4b: {  	_ =	shalt  }
0x4c: {  	_ =	shalt  }
0x4d: {  	_ =	shalt  }
0x4e: {  	_ =	shalt  }
0x4f: {  	_ =	shalt  }
0x50: {  	_ =	shalt  }
0x51: {  	_ =	shalt  }
0x52: {  	_ =	shalt  }
0x53: {  	_ =	shalt  }
0x54: {  	_ =	shalt  }
0x55: {  	_ =	shalt  }
0x56: {  	_ =	shalt  }
0x57: {  	_ =	shalt  }
0x58: {  	_ =	shalt  }
0x59: {  	_ =	shalt  }
0x5a: {  	_ =	shalt  }
0x5b: {  	_ =	shalt  }
0x5c: {  	_ =	shalt  }
0x5d: {  	_ =	shalt  }
0x5e: {  	_ =	shalt  }
0x5f: {  	_ =	shalt  }
0x60: {  	_ =	shalt  }
0x61: {  	_ =	shalt  }
0x62: {  	_ =	shalt  }
0x63: {  	_ =	shalt  }
0x64: {  	_ =	shalt  }
0x65: {  	_ =	shalt  }
0x66: {  	_ =	shalt  }
0x67: {  	_ =	shalt  }
0x68: {  	_ =	shalt  }
0x69: {  	_ =	shalt  }
0x6a: {  	_ =	shalt  }
0x6b: {  	_ =	shalt  }
0x6c: {  	_ =	shalt  }
0x6d: {  	_ =	shalt  }
0x6e: {  	_ =	shalt  }
0x6f: {  	_ =	shalt  }
0x70: {  	_ =	shalt  }
0x71: {  	_ =	shalt  }
0x72: {  	_ =	shalt  }
0x73: {  	_ =	shalt  }
0x74: {  	_ =	shalt  }
0x75: {  	_ =	shalt  }
0x76: {  	_ =	shalt  }
0x77: {  	_ =	shalt  }
0x78: {  	_ =	shalt  }
0x79: {  	_ =	shalt  }
0x7a: {  	_ =	shalt  }
0x7b: {  	_ =	shalt  }
0x7c: {  	_ =	shalt  }
0x7d: {  	_ =	shalt  }
0x7e: {  	_ =	shalt  }
0x7f: {  	_ =	shalt  }
0x80: {  	_ =	shalt  }
0x81: {  	_ =	shalt  }
0x82: {  	_ =	shalt  }
0x83: {  	_ =	shalt  }
0x84: {  	_ =	shalt  }
0x85: {  	_ =	shalt  }
0x86: {  	_ =	shalt  }
0x87: {  	_ =	shalt  }
.Lfunc_end0:
.L_simem_size_0:
called_computation_lowered:
.L_overlay_start_0:
0x88: {  	s2 =	sld [smem:$0x3FD9]  }
0x89: {  	s3 =	sld [smem:$0x3FFE];
	_ =	sdelay $0x1  }
0x8a: {  	s1 =	srdreg.scid  }
0x8b: {  	s0 =	sand.u32 $0x1, s1  }
0x8c: {  	s18 =	sshll.u32 s0, $0xA;
	s2 =	sadd.s32 s3, s2  }
0x8d: {  	s2 =	sadd.s32 s2, s18  }
0x8e: {  	[smem:$0x3FC6] =	sst s2  }
0x8f: {  	_ = 	snop  }
0x90: {  	s2 =	sld [smem:$0x3FC9]  }
0x91: {  	s19 =	sld [smem:$0x3FC8]  }
0x92: {  	s4 =	sld [smem:$0x3FD0];
	(tm) =	ssettm $0x1  }
0x93: {  	s5 =	sld [smem:$0x3FFB];
	_ =	sdelay $0x3  }
0x94: {  	_ =	strace s5  }
0x95: {  	s5 =	sld [smem:$0x3FFC];
	_ =	sdelay $0x3  }
0x96: {  	_ =	strace s5  }
0x97: {  	s5 =	sld [smem:$0x3FFD];
	_ =	sdelay $0x3  }
0x98: {  	_ =	strace s5  }
0x99: {  	_ =	strace $0x8FFFFFFF  }
0x9a: {  	s20 =	sld [smem:$0x3FDB];
	_ =	sdelay $0x1  }
0x9b: {  	s6 =	simm.s32 $_scs_section_size  }
0x9c: {  	s7 =	simm.s32 $_size__tile_overlayer_lowered;
	s8 =	simm.s32 $_tile_overlayer_lowered  }
0x9d: {  	s23 =	simm.s32 $0x1BFF;
	s22 =	sshll.u32 s8, $0x1;
	s5 =	sadd.s32 s6, s20  }
0x9e: {  	s9 =	simm.s32 $0x0;
	s21 =	sshll.u32 s7, $0x1;
	s7 =	sadd.s32 s22, s5  }
0x9f: {  	[timem:s9], [sflag:s23] =	dma.local [hbm:s7], s21  }
0xa0: {  	_ =	swait.ge [sflag:s23], s21  }
0xa1: {  	s6 =	ssub.s32 $0x0, s21;
	[sflag:s23] =	ssyncset.done $0x0  }
0xa2: {  	[sflag:s23] =	ssyncadd.s32 s6;
	_ =	sdelay $0x1  }
0xa3: {  	s24 =	simm.s32 $0x1B8B  }
0xa4: {  	_ =	swait.ge [sflag:s24], $0x1  }
0xa5: {  	[sflag:s24] =	ssyncset.done $0x0  }
0xa6: {  	s25 =	simm.s32 $0x1B8E;
	[sflag:s24] =	ssyncadd.s32 $0xFFFFFFFF  }
0xa7: {  	s26 =	simm.s32 $execute0_lowered;
	[smem:$0x3FD2] =	sst s25  }
0xa8: {  	s6 =	sshll.u32 s26, $0x1;
	_ =	strace $0x80000046;
	[dreg:$0x1] =	wrdreg $0xFFFFFFFF  }
0xa9: {  	s28 =	simm.s32 $_size_execute0_lowered;
	s5 =	sadd.s32 s5, s6;
	[dreg:$0x0] =	wrdreg $0x0  }
0xaa: {  	s6 =	sshll.u32 s28, $0x1;
	[dreg:$0x2] =	wrdreg s5  }
0xab: {  	[dreg:$0x3] =	wrdreg s6  }
0xac: {  	[dreg:$0x4] =	wrdreg $0xC0  }
0xad: {  	_ =	task [dreg:s9], $0x5FFFF  }
0xae: {  	[dreg:$0x1] =	wrdreg $0xFFFFFFFF  }
0xaf: {  	[dreg:$0x0] =	wrdreg $0x60  }
0xb0: {  	[dreg:$0x2] =	wrdreg s2  }
0xb1: {  	[dreg:$0x3] =	wrdreg s19  }
0xb2: {  	[dreg:$0x4] =	wrdreg s4  }
0xb3: {  	[dreg:$0x5] =	wrdreg $0x9  }
0xb4: {  	_ =	task.clear_ibuf [dreg:s9], $0x6FFFF;
	_ =	strace $0x90000046  }
0xb5: {  	s29 =	simm.s32 $0x9;
	_ =	strace $0x80000048  }
0xb6: {  	_ =	swait.ge [sflag:s29], $0x1  }
0xb7: {  	[sflag:s29] =	ssyncadd.s32 $0xFFFFFFFF  }
0xb8: {  	_ =	strace $0x90000048  }
0xb9: {  	_ =	sfence  }
0xba: {  	s30 =	sld [smem:$0x0];
	_ =	sdelay $0x2  }
0xbb: {  	s31 =	sshll.u32 s1, $0xD;
	s1 =	sshrl.u32 s1, $0x2  }
0xbc: {  	s3 =	sand.u32 $0x4000, s31;
	s1 =	sadd.s32 s1, s30  }
0xbd: {  	s0 =	sor.u32 s3, s0;
	s1 =	sshll.u32 s1, $0x11  }
0xbe: {  	s0 =	sor.u32 s1, s0  }
0xbf: {  	s0 =	sadd.s32 $0x8F2B, s0  }
0xc0: {  	[sflag:s0] =	ssyncadd.remote.s32 $0x1  }
0xc1: {  	_ =	sfence.sel $0xFFFF  }
0xc2: {  	[dreg:$0x0] =	wrdreg $0xFFFFFFFF;
	(pc) =	sbr.abs _section_cstart, $3  }
0xc3: {  	[dreg:$0x1] =	wrdreg $0xFFFFFFFF  }
0xc4: {  	_ =	task.clear_ibuf [dreg:s9], $0x2FFFF;
	_ =	strace $0x9FFFFFFF  }
0xc5: {  	(tm) =	ssettm $0x7FFFFFFF  }
tec
execute0_lowered:
.L_overlay_start_1:
0x0: {  	(tag) =	ssettag $0x1  }
0x1: {  	s2 =	rddreg [dreg:$0x0]  }
0x2: {  	s3 =	rddreg [dreg:$0x1]  }
0x3: {  	s0 =	srdreg.scid;
	s4 =	rddreg [dreg:$0x2]  }
0x4: {  	s1 =	stileid.u32;
	s5 =	simm.s32 $0x0;
	s28 =	simm.s32 $0x5  }
0x5: {  	s29 =	simm.s32 $0x7;
	s30 =	simm.s32 $0x3;
	s0 =	sand.u32 $0x1, s0  }
0x6: {  	s31 =	simm.s32 $0x6;
	s1 =	sshll.u32 s1, $0x7;
	s6 =	sshll.u32 s0, $0x6  }
0x7: {  	[smem:$0x7FF] =	sst s5;
	s0 =	ssub.s32 $0x2, s0;
	s1 =	sor.u32 s6, s1  }
0x8: {  	_ =	strace $0x80000047;
	s18 =	sshrl.u32 s0, $0x1;
	s7 =	sshll.u32 s1, $0x9  }
0x9: {  	s0 =	ssub.s32 s0, s18;
	s16 =	sshrl.u32 s1, $0x3;
	s8 =	sadd.s32 s3, s7  }
0xa: {  	s18 =	simm.s32 $0x2000;
	s20 =	sadd.s32 s2, s7;
	[dreg:$0x4] =	wrdreg s8  }
0xb: {  	s1 =	simm.s32 $0x9;
	s23 =	sadd.s32 s4, s7;
	[dreg:$0x5] =	wrdreg s20  }
0xc: {  	s19 =	sor.u32 $0x400, s7;
	s0 =	smax.u32 s0, $0x1;
	[dreg:$0x8] =	wrdreg s23  }
0xd: {  	s24 =	sor.u32 $0x800, s7;
	s21 =	sadd.s32 s3, s19;
	[dreg:$0xe] =	wrdreg s0  }
0xe: {  	s7 =	sor.u32 $0xC00, s7;
	s22 =	sadd.s32 s2, s19;
	[dreg:$0x6] =	wrdreg s21  }
0xf: {  	s9 =	sadd.s32 s3, s24;
	s8 =	sadd.s32 s2, s24;
	[dreg:$0x7] =	wrdreg s22  }
0x10: {  	s6 =	sadd.s32 s4, s19;
	s25 =	sadd.s32 s3, s7;
	[dreg:$0x9] =	wrdreg s9  }
.Ltmp0:
0x11: {  	s26 =	sadd.s32 s2, s7;
	[dreg:$0xa] =	wrdreg s8;
	(pc) =	sbr.rel .LBB2_1-.Ltmp0, $4  }
0x12: {  	s19 =	simm.s32 $0x800000;
	s20 =	simm.s32 $0x6000;
	[dreg:$0xb] =	wrdreg s6  }
0x13: {  	s23 =	simm.s32 $0x4;
	s0 =	simm.s32 $0x8;
	[dreg:$0xc] =	wrdreg s25  }
0x14: {  	s7 =	simm.s32 $0x0;
	[dreg:$0xd] =	wrdreg s26;
	s21 =	simm.s32 $0xE000  }
0x15: {  	s22 =	simm.s32 $0x1;
	s25 =	simm.s32 $0x16000;
	s26 =	simm.s32 $0x2  }
.LBB2_14:
0x16: {  	_ =	swait.ge [sflag:s0], $0x8000  }
0x17: {  	s7 =	rddreg [dreg:$0xf]  }
0x18: {  	s6 =	rddreg [dreg:$0xe];
	s7 =	sadd.s32 $0x1, s7  }
0x19: {  	p0 =	sne.s32 s7, s6  }
.Ltmp1:
0x1a: {  	_ = 	snop;
	(pc) =	sbr.rel @!p0 .LBB2_15-.Ltmp1, $3  }
0x1b: {  	_ =	sdelay $0x1  }
0x1c: {  	[sflag:s0] =	ssyncset.done $0x0  }
0x1d: {  	[sflag:s0] =	ssyncadd.s32 $0xFFFF8000  }
.LBB2_1:
0x1e: {  	[dreg:$0xf] =	wrdreg s7  }
0x1f: {  	s6 =	rddreg [dreg:$0x4]  }
0x20: {  	[tilespmem:s5], [sflag:$0x1] =	stream.linear.gather [hbm4b:s6+s5], $0x2000, $0x38;
	[tilespmem:$0x1E000] =	vst v63  }
0x21: {  	s11 =	rddreg [dreg:$0x5]  }
0x22: {  	[tilespmem:s20], [sflag:$0x4] =	stream.strided.gather [hbm4b:s11+s18], $0x8000, s19, s18, $0x38;
	[tilespmem:$0x1E000] =	vst v63  }
0x23: {  	s12 =	rddreg [dreg:$0x6]  }
0x24: {  	[tilespmem:s18], [sflag:$0x2] =	stream.linear.gather [hbm4b:s12+s5], $0x2000, $0x38;
	[tilespmem:$0x1E000] =	vst v63  }
0x25: {  	s13 =	rddreg [dreg:$0x7]  }
0x26: {  	[tilespmem:s21], [sflag:$0x5] =	stream.strided.gather [hbm4b:s13+s18], $0x8000, s19, s18, $0x38;
	[tilespmem:$0x1E000] =	vst v63  }
0x27: {  	_ =	swait.ge [sflag:s22], $0x2000  }
0x28: {  	[sflag:s22] =	ssyncset.done $0x0  }
0x29: {  	[sflag:s22] =	ssyncadd.s32 $0xFFFFE000  }
0x2a: {  	s14 =	sand.u32 $0x1C00, s5;
	s15 =	sand.u32 $0x380, s5;
	_ =	swait.ge [sflag:s23], $0x8000  }
0x2b: {  	s8 =	sand.u32 $0x70, s5;
	s6 =	sor.u32 s15, s14;
	[sflag:s23] =	ssyncset.done $0x0  }
0x2c: {  	s6 =	sor.u32 s8, s6;
	[sflag:s23] =	ssyncadd.s32 $0xFFFF8000  }
0x2d: {  	v0 =	vld [tilespmem:s6+$0x0]  }
0x2e: {  	v2 =	vld [tilespmem:s6+$0xC000]  }
0x2f: {  	s17 =	simm.s32 $0x80;
	s24 =	simm.s32 $0x10;
	v4 =	vld [tilespmem:s6+$0x6000]  }
0x30: {  	s9 =	simm.s32 $0x2;
	s7 =	sand.u32 $0x380, s17;
	s8 =	sand.u32 $0x1C00, s24;
	v6 =	vld [tilespmem:s6+$0x8000]  }
0x31: {  	s9 =	sand.u32 $0x70, s9;
	s7 =	sor.u32 s7, s8  }
0x32: {  	s7 =	sor.u32 s9, s7;
	v3 =	vld [tilespmem:s6+$0xA000]  }
0x33: {  	v1 =	vld [tilespmem:s7+$0x0];
	v7 =	vadd.f32 v2, v0  }
0x34: {  	v2 =	vld [tilespmem:s7+$0xC000]  }
0x35: {  	s10 =	simm.s32 $0x20;
	s8 =	simm.s32 $0x4;
	s9 =	simm.s32 $0x100;
	v5 =	vadd.f32 v4, v0;
	v4 =	vld [tilespmem:s7+$0x6000];
	v6 =	vadd.f32 v6, v0;
	[tilespmem:s6+$0xC000] =	vst v7  }
.LBB2_2:
0x36: {  	s11 =	sand.u32 $0x70, s8  }
0x37: {  	s12 =	sand.u32 $0x1C00, s10;
	s13 =	sand.u32 $0x380, s9;
	v7 =	vld [tilespmem:s7+$0x8000];
	[tilespmem:s6+$0x6000] =	vst v5;
	v5 =	vadd.f32 v3, v0;
	p0 =	sne.s32 s8, $0x3FE  }
.Ltmp2:
0x38: {  	s8 =	sadd.s32 $0x2, s8;
	s12 =	sor.u32 s13, s12;
	v3 =	vld [tilespmem:s7+$0xA000];
	[tilespmem:s6+$0x8000] =	vst v6;
	(pc) =	sbr.rel @p0 .LBB2_2-.Ltmp2, $4  }
0x39: {  	[tilespmem:s6+$0xA000] =	vst v5;
	v0 =	vmov v1;
	s6 =	smov.u32 s7;
	s7 =	sor.u32 s11, s12  }
0x3a: {  	v1 =	vld [tilespmem:s7+$0x0];
	v8 =	vadd.f32 v2, v0  }
0x3b: {  	v2 =	vld [tilespmem:s7+$0xC000];
	v5 =	vadd.f32 v4, v0  }
0x3c: {  	s9 =	sadd.s32 $0x80, s9;
	s10 =	sadd.s32 $0x10, s10;
	v4 =	vld [tilespmem:s7+$0x6000];
	v6 =	vadd.f32 v7, v0;
	[tilespmem:s6+$0xC000] =	vst v8  }
0x3d: {  	v7 =	vld [tilespmem:s7+$0x8000]  }
0x3e: {  	v8 =	vld [tilespmem:s7+$0xA000]  }
0x3f: {  	[tilespmem:s6+$0x6000] =	vst v5;
	v0 =	vadd.f32 v3, v0  }
0x40: {  	[tilespmem:s6+$0x8000] =	vst v6;
	v2 =	vadd.f32 v2, v1  }
0x41: {  	[tilespmem:s6+$0xA000] =	vst v0;
	v0 =	vadd.f32 v4, v1  }
0x42: {  	v3 =	vadd.f32 v7, v1;
	[tilespmem:s7+$0xC000] =	vst v2  }
0x43: {  	[tilespmem:s7+$0x6000] =	vst v0;
	v0 =	vadd.f32 v8, v1  }
0x44: {  	[tilespmem:s7+$0x8000] =	vst v3  }
0x45: {  	[tilespmem:s7+$0xA000] =	vst v0  }
0x46: {  	s6 =	rddreg [dreg:$0x8]  }
0x47: {  	[hbm4b:s6+s18] =	stream.strided.scatter [tilespmem:s20], [sflag:$0x7], $0x8000, s19, s18, $0x38;
	[tilespmem:$0x1E000] =	vst v63  }
0x48: {  	s12 =	simm.s32 $0x0;
	s8 =	simm.s32 $0x4000;
	s7 =	rddreg [dreg:$0x9]  }
0x49: {  	[tilespmem:s8], [sflag:$0x3] =	stream.linear.gather [hbm4b:s7+s12], $0x2000, $0x38;
	[tilespmem:$0x1E000] =	vst v63  }
0x4a: {  	s13 =	rddreg [dreg:$0xa]  }
0x4b: {  	[tilespmem:s25], [sflag:$0x6] =	stream.strided.gather [hbm4b:s13+s18], $0x8000, s19, s18, $0x38;
	[tilespmem:$0x1E000] =	vst v63  }
0x4c: {  	_ =	swait.ge [sflag:s26], $0x2000  }
0x4d: {  	[sflag:s26] =	ssyncset.done $0x0  }
0x4e: {  	[sflag:s26] =	ssyncadd.s32 $0xFFFFE000  }
0x4f: {  	s14 =	sand.u32 $0x1C00, s12;
	s15 =	sand.u32 $0x380, s12;
	_ =	swait.ge [sflag:s28], $0x8000  }
0x50: {  	s6 =	sand.u32 $0x70, s12;
	s7 =	sor.u32 s15, s14;
	[sflag:s28] =	ssyncset.done $0x0  }
0x51: {  	s6 =	sor.u32 s6, s7;
	[sflag:s28] =	ssyncadd.s32 $0xFFFF8000  }
0x52: {  	v0 =	vld [tilespmem:s6+$0x2000]  }
0x53: {  	v2 =	vld [tilespmem:s6+$0x14000]  }
0x54: {  	s17 =	simm.s32 $0x80;
	s24 =	simm.s32 $0x10;
	v4 =	vld [tilespmem:s6+$0xE000]  }
0x55: {  	s9 =	simm.s32 $0x2;
	s8 =	sand.u32 $0x1C00, s24;
	s7 =	sand.u32 $0x380, s17;
	v6 =	vld [tilespmem:s6+$0x10000]  }
0x56: {  	s9 =	sand.u32 $0x70, s9;
	s7 =	sor.u32 s7, s8  }
0x57: {  	s7 =	sor.u32 s9, s7;
	v3 =	vld [tilespmem:s6+$0x12000]  }
0x58: {  	v1 =	vld [tilespmem:s7+$0x2000];
	v7 =	vadd.f32 v2, v0  }
0x59: {  	v2 =	vld [tilespmem:s7+$0x14000]  }
0x5a: {  	s10 =	simm.s32 $0x20;
	s8 =	simm.s32 $0x4;
	s9 =	simm.s32 $0x100;
	v5 =	vadd.f32 v4, v0;
	v4 =	vld [tilespmem:s7+$0xE000];
	v6 =	vadd.f32 v6, v0;
	[tilespmem:s6+$0x14000] =	vst v7  }
.LBB2_4:
0x5b: {  	s11 =	sand.u32 $0x70, s8  }
0x5c: {  	s12 =	sand.u32 $0x1C00, s10;
	s13 =	sand.u32 $0x380, s9;
	v7 =	vld [tilespmem:s7+$0x10000];
	[tilespmem:s6+$0xE000] =	vst v5;
	v5 =	vadd.f32 v3, v0;
	p0 =	sne.s32 s8, $0x3FE  }
.Ltmp3:
0x5d: {  	s8 =	sadd.s32 $0x2, s8;
	s12 =	sor.u32 s13, s12;
	v3 =	vld [tilespmem:s7+$0x12000];
	[tilespmem:s6+$0x10000] =	vst v6;
	(pc) =	sbr.rel @p0 .LBB2_4-.Ltmp3, $4  }
0x5e: {  	[tilespmem:s6+$0x12000] =	vst v5;
	v0 =	vmov v1;
	s6 =	smov.u32 s7;
	s7 =	sor.u32 s11, s12  }
0x5f: {  	v1 =	vld [tilespmem:s7+$0x2000];
	v8 =	vadd.f32 v2, v0  }
0x60: {  	v2 =	vld [tilespmem:s7+$0x14000];
	v5 =	vadd.f32 v4, v0  }
0x61: {  	s9 =	sadd.s32 $0x80, s9;
	s10 =	sadd.s32 $0x10, s10;
	v4 =	vld [tilespmem:s7+$0xE000];
	v6 =	vadd.f32 v7, v0;
	[tilespmem:s6+$0x14000] =	vst v8  }
0x62: {  	v7 =	vld [tilespmem:s7+$0x10000]  }
0x63: {  	v8 =	vld [tilespmem:s7+$0x12000]  }
0x64: {  	[tilespmem:s6+$0xE000] =	vst v5;
	v0 =	vadd.f32 v3, v0  }
0x65: {  	[tilespmem:s6+$0x10000] =	vst v6;
	v2 =	vadd.f32 v2, v1  }
0x66: {  	[tilespmem:s6+$0x12000] =	vst v0;
	v61 =	vadd.f32 v4, v1  }
0x67: {  	v62 =	vadd.f32 v7, v1;
	[tilespmem:s7+$0x14000] =	vst v2  }
0x68: {  	v63 =	vadd.f32 v8, v1;
	[tilespmem:s7+$0xE000] =	vst v61  }
0x69: {  	[tilespmem:s7+$0x10000] =	vst v62  }
0x6a: {  	[tilespmem:s7+$0x12000] =	vst v63  }
0x6b: {  	s6 =	rddreg [dreg:$0xb]  }
0x6c: {  	[hbm4b:s6+s18] =	stream.strided.scatter [tilespmem:s21], [sflag:$0x8], $0x8000, s19, s18, $0x38;
	[tilespmem:$0x1E000] =	vst v63  }
0x6d: {  	_ =	swait.ge [sflag:s29], $0x8000  }
0x6e: {  	[sflag:s29] =	ssyncset.done $0x0  }
0x6f: {  	s6 =	simm.s32 $0x0;
	s17 =	rddreg [dreg:$0xc];
	[sflag:s29] =	ssyncadd.s32 $0xFFFF8000  }
0x70: {  	[tilespmem:s6], [sflag:$0x1] =	stream.linear.gather [hbm4b:s17+s6], $0x2000, $0x38;
	[tilespmem:$0x1E000] =	vst v63  }
0x71: {  	s7 =	simm.s32 $0x0;
	s24 =	rddreg [dreg:$0xd]  }
0x72: {  	[tilespmem:s20], [sflag:$0x4] =	stream.strided.gather [hbm4b:s24+s18], $0x8000, s19, s18, $0x38;
	[tilespmem:$0x1E000] =	vst v63  }
.LBB2_6:
0x73: {  	_ =	swait.ge [sflag:s30], $0x2000  }
0x74: {  	[sflag:s30] =	ssyncset.done $0x0  }
0x75: {  	[sflag:s30] =	ssyncadd.s32 $0xFFFFE000  }
0x76: {  	s8 =	sand.u32 $0x1C00, s6;
	s9 =	sand.u32 $0x380, s6;
	_ =	swait.ge [sflag:s31], $0x8000  }
0x77: {  	s10 =	sand.u32 $0x70, s6;
	s8 =	sor.u32 s9, s8;
	[sflag:s31] =	ssyncset.done $0x0  }
0x78: {  	s10 =	sor.u32 s10, s8;
	[sflag:s31] =	ssyncadd.s32 $0xFFFF8000  }
0x79: {  	v1 =	vld [tilespmem:s10+$0x4000]  }
0x7a: {  	v2 =	vld [tilespmem:s10+$0x1C000]  }
0x7b: {  	s17 =	simm.s32 $0x80;
	s24 =	simm.s32 $0x10;
	v3 =	vld [tilespmem:s10+$0x16000]  }
0x7c: {  	s11 =	simm.s32 $0x2;
	s9 =	sand.u32 $0x1C00, s24;
	s8 =	sand.u32 $0x380, s17;
	v5 =	vld [tilespmem:s10+$0x18000]  }
0x7d: {  	s11 =	sand.u32 $0x70, s11;
	s8 =	sor.u32 s8, s9  }
0x7e: {  	s9 =	sor.u32 s11, s8;
	v4 =	vld [tilespmem:s10+$0x1A000]  }
0x7f: {  	v0 =	vld [tilespmem:s9+$0x4000];
	v7 =	vadd.f32 v2, v1  }
0x80: {  	v2 =	vld [tilespmem:s9+$0x1C000]  }
0x81: {  	s12 =	simm.s32 $0x20;
	s8 =	simm.s32 $0x4;
	s11 =	simm.s32 $0x100;
	v6 =	vadd.f32 v3, v1;
	v3 =	vld [tilespmem:s9+$0x16000];
	v5 =	vadd.f32 v5, v1;
	[tilespmem:s10+$0x1C000] =	vst v7  }
.LBB2_7:
0x82: {  	s13 =	sand.u32 $0x70, s8  }
0x83: {  	s14 =	sand.u32 $0x1C00, s12;
	s15 =	sand.u32 $0x380, s11;
	v7 =	vld [tilespmem:s9+$0x18000];
	[tilespmem:s10+$0x16000] =	vst v6;
	v6 =	vadd.f32 v4, v1;
	p0 =	sne.s32 s8, $0x3FE  }
.Ltmp4:
0x84: {  	s8 =	sadd.s32 $0x2, s8;
	s14 =	sor.u32 s15, s14;
	v4 =	vld [tilespmem:s9+$0x1A000];
	[tilespmem:s10+$0x18000] =	vst v5;
	(pc) =	sbr.rel @p0 .LBB2_7-.Ltmp4, $4  }
0x85: {  	[tilespmem:s10+$0x1A000] =	vst v6;
	v1 =	vmov v0;
	s10 =	smov.u32 s9;
	s9 =	sor.u32 s13, s14  }
0x86: {  	v0 =	vld [tilespmem:s9+$0x4000];
	v8 =	vadd.f32 v2, v1  }
0x87: {  	v2 =	vld [tilespmem:s9+$0x1C000];
	v6 =	vadd.f32 v3, v1  }
0x88: {  	s11 =	sadd.s32 $0x80, s11;
	s12 =	sadd.s32 $0x10, s12;
	v3 =	vld [tilespmem:s9+$0x16000];
	v5 =	vadd.f32 v7, v1;
	[tilespmem:s10+$0x1C000] =	vst v8  }
0x89: {  	v7 =	vld [tilespmem:s9+$0x18000]  }
0x8a: {  	v8 =	vld [tilespmem:s9+$0x1A000];
	s8 =	smul.u32 $0x3, s7  }
0x8b: {  	[tilespmem:s10+$0x16000] =	vst v6;
	v1 =	vadd.f32 v4, v1  }
0x8c: {  	[tilespmem:s10+$0x18000] =	vst v5;
	s17 =	sadd.s32 $0x2, s8;
	v2 =	vadd.f32 v2, v0  }
0x8d: {  	[tilespmem:s10+$0x1A000] =	vst v1;
	s11 =	sshrl.u32 s17, $0x2;
	s10 =	sshll.u32 s17, $0xA;
	v1 =	vadd.f32 v3, v0  }
0x8e: {  	s11 =	sadd.s32 s16, s11;
	s10 =	sand.u32 $0xC00, s10;
	v3 =	vadd.f32 v7, v0;
	[tilespmem:s9+$0x1C000] =	vst v2  }
0x8f: {  	v0 =	vadd.f32 v8, v0;
	s11 =	sshll.u32 s11, $0xC;
	s10 =	sadd.s32 s4, s10;
	[tilespmem:s9+$0x16000] =	vst v1  }
0x90: {  	s24 =	sadd.s32 s11, s10;
	s10 =	sadd.s32 $0x4, s8;
	[tilespmem:s9+$0x18000] =	vst v3  }
0x91: {  	s11 =	smul.u32 $0x6000, s7;
	[tilespmem:s9+$0x1A000] =	vst v0;
	s9 =	sshrl.u32 s10, $0x2  }
0x92: {  	[hbm4b:s24+s18] =	stream.strided.scatter [tilespmem:s25], [sflag:$0x9], $0x8000, s19, s18, $0x38;
	[tilespmem:$0x1E000] =	vst v63  }
0x93: {  	s9 =	sadd.s32 s16, s9  }
0x94: {  	s10 =	sand.u32 $0x6000, s11;
	s9 =	sshll.u32 s9, $0xF  }
0x95: {  	_ =	swait.ge [sflag:s0], $0x8000;
	s9 =	sor.u32 s10, s9  }
0x96: {  	[sflag:s0] =	ssyncset.done $0x0;
	s9 =	sshrl.u32 s9, $0x3  }
0x97: {  	s13 =	simm.s32 $0x0;
	[sflag:s0] =	ssyncadd.s32 $0xFFFF8000;
	s12 =	sadd.s32 s3, s9  }
0x98: {  	[tilespmem:s18], [sflag:$0x2] =	stream.linear.gather [hbm4b:s12+s13], $0x2000, $0x38;
	[tilespmem:$0x1E000] =	vst v63  }
0x99: {  	s14 =	sadd.s32 s2, s9  }
0x9a: {  	[tilespmem:s21], [sflag:$0x5] =	stream.strided.gather [hbm4b:s14+s18], $0x8000, s19, s18, $0x38;
	[tilespmem:$0x1E000] =	vst v63  }
0x9b: {  	_ =	swait.ge [sflag:s22], $0x2000  }
0x9c: {  	[sflag:s22] =	ssyncset.done $0x0  }
0x9d: {  	[sflag:s22] =	ssyncadd.s32 $0xFFFFE000  }
0x9e: {  	s15 =	sand.u32 $0x1C00, s13;
	s12 =	sand.u32 $0x380, s13;
	_ =	swait.ge [sflag:s23], $0x8000  }
0x9f: {  	s11 =	sand.u32 $0x70, s13;
	s10 =	sor.u32 s12, s15;
	[sflag:s23] =	ssyncset.done $0x0  }
0xa0: {  	s11 =	sor.u32 s11, s10;
	[sflag:s23] =	ssyncadd.s32 $0xFFFF8000  }
0xa1: {  	v1 =	vld [tilespmem:s11+$0x0]  }
0xa2: {  	v2 =	vld [tilespmem:s11+$0xC000]  }
0xa3: {  	s17 =	simm.s32 $0x80;
	s24 =	simm.s32 $0x10;
	v4 =	vld [tilespmem:s11+$0x6000]  }
0xa4: {  	s13 =	simm.s32 $0x2;
	s12 =	sand.u32 $0x1C00, s24;
	s10 =	sand.u32 $0x380, s17;
	v6 =	vld [tilespmem:s11+$0x8000]  }
0xa5: {  	s13 =	sand.u32 $0x70, s13;
	s10 =	sor.u32 s10, s12  }
0xa6: {  	s10 =	sor.u32 s13, s10;
	v3 =	vld [tilespmem:s11+$0xA000]  }
0xa7: {  	v0 =	vld [tilespmem:s10+$0x0];
	v7 =	vadd.f32 v2, v1  }
0xa8: {  	v2 =	vld [tilespmem:s10+$0xC000]  }
0xa9: {  	s14 =	simm.s32 $0x20;
	s12 =	simm.s32 $0x4;
	s13 =	simm.s32 $0x100;
	v5 =	vadd.f32 v4, v1;
	v4 =	vld [tilespmem:s10+$0x6000];
	v6 =	vadd.f32 v6, v1;
	[tilespmem:s11+$0xC000] =	vst v7  }
.LBB2_9:
0xaa: {  	s15 =	sand.u32 $0x70, s12  }
0xab: {  	s17 =	sand.u32 $0x1C00, s14;
	s24 =	sand.u32 $0x380, s13;
	v7 =	vld [tilespmem:s10+$0x8000];
	[tilespmem:s11+$0x6000] =	vst v5;
	v5 =	vadd.f32 v3, v1;
	p0 =	sne.s32 s12, $0x3FE  }
.Ltmp5:
0xac: {  	s12 =	sadd.s32 $0x2, s12;
	s17 =	sor.u32 s24, s17;
	v3 =	vld [tilespmem:s10+$0xA000];
	[tilespmem:s11+$0x8000] =	vst v6;
	(pc) =	sbr.rel @p0 .LBB2_9-.Ltmp5, $4  }
0xad: {  	[tilespmem:s11+$0xA000] =	vst v5;
	v1 =	vmov v0;
	s11 =	smov.u32 s10;
	s10 =	sor.u32 s15, s17  }
0xae: {  	v0 =	vld [tilespmem:s10+$0x0];
	v8 =	vadd.f32 v2, v1  }
0xaf: {  	v2 =	vld [tilespmem:s10+$0xC000];
	v5 =	vadd.f32 v4, v1  }
0xb0: {  	s13 =	sadd.s32 $0x80, s13;
	s14 =	sadd.s32 $0x10, s14;
	v4 =	vld [tilespmem:s10+$0x6000];
	v6 =	vadd.f32 v7, v1;
	[tilespmem:s11+$0xC000] =	vst v8  }
0xb1: {  	v7 =	vld [tilespmem:s10+$0x8000]  }
0xb2: {  	v8 =	vld [tilespmem:s10+$0xA000]  }
0xb3: {  	[tilespmem:s11+$0x6000] =	vst v5;
	v1 =	vadd.f32 v3, v1  }
0xb4: {  	[tilespmem:s11+$0x8000] =	vst v6;
	v2 =	vadd.f32 v2, v0  }
0xb5: {  	s24 =	sadd.s32 $0x3, s8;
	[tilespmem:s11+$0xA000] =	vst v1;
	v1 =	vadd.f32 v4, v0  }
0xb6: {  	s12 =	sshrl.u32 s24, $0x2;
	s11 =	sshll.u32 s24, $0xA;
	v3 =	vadd.f32 v7, v0;
	[tilespmem:s10+$0xC000] =	vst v2  }
0xb7: {  	s12 =	sadd.s32 s16, s12;
	s11 =	sand.u32 $0xC00, s11;
	v0 =	vadd.f32 v8, v0;
	[tilespmem:s10+$0x6000] =	vst v1  }
0xb8: {  	p0 =	seq.s32 s7, $0x9;
	s12 =	sshll.u32 s12, $0xC;
	s11 =	sadd.s32 s4, s11;
	[tilespmem:s10+$0x8000] =	vst v3  }
0xb9: {  	s11 =	sadd.s32 s12, s11;
	[tilespmem:s10+$0xA000] =	vst v0;
	s10 =	sadd.s32 @!p0 $0x5, s8  }
0xba: {  	[hbm4b:s11+s18] =	stream.strided.scatter [tilespmem:s20], [sflag:$0x7], $0x8000, s19, s18, $0x38;
	[tilespmem:$0x1E000] =	vst v63  }
0xbb: {  	s11 =	sshrl.u32 @!p0 s10, $0x2  }
0xbc: {  	s13 =	simm.s32 @!p0 $0x4000;
	s10 =	sshll.u32 @!p0 s10, $0xA;
	s11 =	sadd.s32 @!p0 s16, s11  }
0xbd: {  	_ =	swait.ge [sflag:s1], $0x8000;
	s10 =	sand.u32 @!p0 $0xC00, s10;
	s11 =	sshll.u32 @!p0 s11, $0xC  }
0xbe: {  	s12 =	simm.s32 @!p0 $0x0;
	[sflag:s1] =	ssyncset.done $0x0;
	s10 =	sor.u32 @!p0 s10, s11  }
0xbf: {  	[sflag:s1] =	ssyncadd.s32 $0xFFFF8000;
	s11 =	sadd.s32 @!p0 s3, s10;
	s10 =	sadd.s32 @!p0 s2, s10  }
0xc0: {  	[tilespmem:s13], [sflag:$0x3] =	stream.linear.gather @!p0 [hbm4b:s11+s12], $0x2000, $0x38;
	[tilespmem:$0x1E000] =	vst v63  }
0xc1: {  	s11 =	simm.s32 @!p0 $0x2000;
	s12 =	simm.s32 @!p0 $0x800000;
	s13 =	simm.s32 @!p0 $0x16000  }
0xc2: {  	[tilespmem:s13], [sflag:$0x6] =	stream.strided.gather @!p0 [hbm4b:s10+s11], $0x8000, s12, s11, $0x38;
	[tilespmem:$0x1E000] =	vst v63  }
0xc3: {  	_ =	swait.ge [sflag:s26], $0x2000  }
0xc4: {  	[sflag:s26] =	ssyncset.done $0x0  }
0xc5: {  	s12 =	simm.s32 $0x0;
	[sflag:s26] =	ssyncadd.s32 $0xFFFFE000  }
0xc6: {  	s13 =	sand.u32 $0x1C00, s12;
	s14 =	sand.u32 $0x380, s12;
	_ =	swait.ge [sflag:s28], $0x8000  }
0xc7: {  	s10 =	sand.u32 $0x70, s12;
	s11 =	sor.u32 s14, s13;
	[sflag:s28] =	ssyncset.done $0x0  }
0xc8: {  	s10 =	sor.u32 s10, s11;
	[sflag:s28] =	ssyncadd.s32 $0xFFFF8000  }
0xc9: {  	v0 =	vld [tilespmem:s10+$0x2000]  }
0xca: {  	v2 =	vld [tilespmem:s10+$0x14000]  }
0xcb: {  	s15 =	simm.s32 $0x80;
	s17 =	simm.s32 $0x10;
	v4 =	vld [tilespmem:s10+$0xE000]  }
0xcc: {  	s24 =	simm.s32 $0x2;
	s12 =	sand.u32 $0x1C00, s17;
	s11 =	sand.u32 $0x380, s15;
	v6 =	vld [tilespmem:s10+$0x10000]  }
0xcd: {  	s13 =	sand.u32 $0x70, s24;
	s11 =	sor.u32 s11, s12  }
0xce: {  	s11 =	sor.u32 s13, s11;
	v3 =	vld [tilespmem:s10+$0x12000]  }
0xcf: {  	v1 =	vld [tilespmem:s11+$0x2000];
	v7 =	vadd.f32 v2, v0  }
0xd0: {  	v2 =	vld [tilespmem:s11+$0x14000]  }
0xd1: {  	s14 =	simm.s32 $0x20;
	s12 =	simm.s32 $0x4;
	s13 =	simm.s32 $0x100;
	v5 =	vadd.f32 v4, v0;
	v4 =	vld [tilespmem:s11+$0xE000];
	v6 =	vadd.f32 v6, v0;
	[tilespmem:s10+$0x14000] =	vst v7  }
.LBB2_11:
0xd2: {  	s15 =	sand.u32 $0x70, s12  }
0xd3: {  	s17 =	sand.u32 $0x1C00, s14;
	s24 =	sand.u32 $0x380, s13;
	v7 =	vld [tilespmem:s11+$0x10000];
	[tilespmem:s10+$0xE000] =	vst v5;
	v5 =	vadd.f32 v3, v0;
	p1 =	sne.s32 s12, $0x3FE  }
.Ltmp6:
0xd4: {  	s12 =	sadd.s32 $0x2, s12;
	s17 =	sor.u32 s24, s17;
	v3 =	vld [tilespmem:s11+$0x12000];
	[tilespmem:s10+$0x10000] =	vst v6;
	(pc) =	sbr.rel @p1 .LBB2_11-.Ltmp6, $4  }
0xd5: {  	[tilespmem:s10+$0x12000] =	vst v5;
	v0 =	vmov v1;
	s10 =	smov.u32 s11;
	s11 =	sor.u32 s15, s17  }
0xd6: {  	v1 =	vld [tilespmem:s11+$0x2000];
	v8 =	vadd.f32 v2, v0  }
0xd7: {  	v2 =	vld [tilespmem:s11+$0x14000];
	v5 =	vadd.f32 v4, v0  }
0xd8: {  	s13 =	sadd.s32 $0x80, s13;
	s14 =	sadd.s32 $0x10, s14;
	v4 =	vld [tilespmem:s11+$0xE000];
	v6 =	vadd.f32 v7, v0;
	[tilespmem:s10+$0x14000] =	vst v8  }
0xd9: {  	v7 =	vld [tilespmem:s11+$0x10000]  }
0xda: {  	v8 =	vld [tilespmem:s11+$0x12000]  }
0xdb: {  	[tilespmem:s10+$0xE000] =	vst v5;
	v0 =	vadd.f32 v3, v0  }
0xdc: {  	[tilespmem:s10+$0x10000] =	vst v6;
	v2 =	vadd.f32 v2, v1  }
0xdd: {  	[tilespmem:s10+$0x12000] =	vst v0;
	v61 =	vadd.f32 v4, v1  }
0xde: {  	v62 =	vadd.f32 v7, v1;
	[tilespmem:s11+$0x14000] =	vst v2  }
0xdf: {  	v63 =	vadd.f32 v8, v1;
	[tilespmem:s11+$0xE000] =	vst v61  }
0xe0: {  	[tilespmem:s11+$0x10000] =	vst v62  }
.Ltmp7:
0xe1: {  	s9 =	sadd.s32 s4, s9;
	[tilespmem:s11+$0x12000] =	vst v63;
	(pc) =	sbr.rel @p0 .LBB2_14-.Ltmp7, $4  }
0xe2: {  	[hbm4b:s9+s18] =	stream.strided.scatter [tilespmem:s21], [sflag:$0x8], $0x8000, s19, s18, $0x38;
	[tilespmem:$0x1E000] =	vst v63  }
0xe3: {  	_ =	swait.ge [sflag:s29], $0x8000  }
0xe4: {  	[sflag:s29] =	ssyncset.done $0x0  }
0xe5: {  	[sflag:s29] =	ssyncadd.s32 $0xFFFF8000  }
0xe6: {  	s8 =	sadd.s32 $0x6, s8  }
0xe7: {  	s9 =	sshrl.u32 s8, $0x2  }
0xe8: {  	s8 =	sshll.u32 s8, $0xA;
	s9 =	sadd.s32 s16, s9  }
0xe9: {  	s8 =	sand.u32 $0xC00, s8;
	s9 =	sshll.u32 s9, $0xC  }
.Ltmp8:
0xea: {  	s8 =	sor.u32 s8, s9;
	(pc) =	sbr.rel .LBB2_6-.Ltmp8, $4  }
0xeb: {  	s9 =	sadd.s32 s3, s8  }
0xec: {  	[tilespmem:s5], [sflag:$0x1] =	stream.linear.gather [hbm4b:s9+s5], $0x2000, $0x38;
	[tilespmem:$0x1E000] =	vst v63  }
0xed: {  	s7 =	sadd.s32 $0x1, s7;
	s8 =	sadd.s32 s2, s8  }
0xee: {  	[tilespmem:s20], [sflag:$0x4] =	stream.strided.gather [hbm4b:s8+s18], $0x8000, s19, s18, $0x38;
	[tilespmem:$0x1E000] =	vst v63  }
.LBB2_15:
0xef: {  	_ =	sfence.sel $0x180000  }
0xf0: {  	[bflag:$0x0] =	sbarrier.arrive $0xFFFF  }
0xf1: {  	_ =	strace $0x90000047  }
0xf2: {  	s0 =	stileid.u32;
	[bflag:$0x2] =	sbarrier.arrive $0xFFFF  }
0xf3: {  	p0 =	sne.s32 s0, $0x0;
	s0 =	rddreg [dreg:$0x3]  }
0xf4: {  	s0 =	sadd.s32 @!p0 $0x100000, s0  }
0xf5: {  	[sflag:s0] =	ssyncadd.tile.s32 @!p0 $0x1;
	_ =	shalt  }
.Lfunc_end2:
_tile_overlayer_lowered:
.L_overlay_start_2:
0xf6: {  	(tag) =	ssettag $0x2  }
0xf7: {  	s0 =	rddreg [dreg:$0x0];
	s2 =	stileid.u32  }
0xf8: {  	s1 =	rddreg [dreg:$0x1];
	p0 =	sne.s32 s2, $0x0  }
0xf9: {  	s3 =	rddreg [dreg:$0x2];
	[bflag:$0x3] =	sbarrier.arrive $0xFFFF;
	s2 =	simm.s32 @!p0 $0x1C0A  }
0xfa: {  	[timem:s3], [sflag:s2] =	dma.local @!p0 [hbm:s0], s1  }
0xfb: {  	s0 =	simm.s32 @!p0 $0xA  }
0xfc: {  	_ =	swait.ge @!p0 [sflag:s0], s1  }
0xfd: {  	s1 =	ssub.s32 @!p0 $0x0, s1;
	[sflag:s0] =	ssyncset.done @!p0 $0x0  }
0xfe: {  	[sflag:s0] =	ssyncadd.s32 @!p0 s1  }
0xff: {  	[bflag:$0x3] =	sbarrier.arrive $0xFFFF  }
0x100: {  	_ =	shalt  }

</sc_bundles>
